<compile_context>
chip_gen: v7x
topology: tpu7x:2x2x1
jax: 0.10.2.dev20260603
libtpu: 0.0.44.dev20260713+nightly
codegen_flags: <defaults>
</compile_context>

<pallas_src>
import functools

import jax
import jax.numpy as jnp
from jax import lax
from jax.experimental import pallas as pl
from jax.experimental.pallas import tpu as pltpu
from jax.experimental.pallas import tpu_sc as plsc

NUM_WORKERS = 32
CHUNK = 128
NBUF = 8


def _make_gather(n_ids: int, vocab: int, dim: int, padded_dim: int):
  n_per_w = n_ids // NUM_WORKERS
  n_chunks = n_per_w // CHUNK
  mesh = plsc.VectorSubcoreMesh(core_axis_name="c", subcore_axis_name="s")

  @functools.partial(
      pl.kernel,
      mesh=mesh,
      out_type=jax.ShapeDtypeStruct((n_ids, padded_dim), jnp.float32),
      scratch_types=[
          pltpu.VMEM((n_chunks, CHUNK), jnp.int32),
          pltpu.VMEM((NBUF, CHUNK, dim), jnp.float32),
          pltpu.SemaphoreType.DMA((NBUF,)),
      ],
      compiler_params=pltpu.CompilerParams(use_tc_tiling_on_sc=False,
                                           needs_layout_passes=False),
  )
  def gather_kernel(ids_hbm, table_hbm, out_hbm, idx_v, rows_v, gsem):
    c = lax.axis_index("c")
    s = lax.axis_index("s")
    wid = s * 2 + c
    base = wid * n_per_w
    pltpu.sync_copy(ids_hbm.at[wid], idx_v)

    def gather(j, slot):
      pltpu.async_copy(table_hbm.at[idx_v.at[j]], rows_v.at[slot],
                       gsem.at[slot])

    def wait_gather(j, slot):
      pltpu.make_async_copy(table_hbm.at[idx_v.at[j]], rows_v.at[slot],
                            gsem.at[slot]).wait()

    def put(j, slot):
      pltpu.sync_copy(
          rows_v.at[slot],
          out_hbm.at[pl.ds(base + j * CHUNK, CHUNK), pl.ds(0, dim)])

    for b in range(NBUF):
      gather(b, b)

    def body(j, carry):
      slot = lax.rem(j, NBUF)
      wait_gather(j, slot)
      put(j, slot)
      gather(j + NBUF, slot)
      return carry

    lax.fori_loop(0, n_chunks - NBUF, body, 0)

    for k in range(NBUF):
      j = n_chunks - NBUF + k
      slot = j % NBUF
      wait_gather(j, slot)
      put(j, slot)

  return gather_kernel


def kernel(input_ids, attention_mask, emb_weight):
  batch, seq = input_ids.shape
  vocab, dim = emb_weight.shape
  n_ids = batch * seq
  table_wide = jax.lax.optimization_barrier(emb_weight.reshape(vocab // 2, 2 * dim))
  table = table_wide.reshape(vocab, dim)
  ids = input_ids.reshape(NUM_WORKERS, n_ids // (NUM_WORKERS * CHUNK), CHUNK)
  ids = ids.astype(jnp.int32)
  out128 = _make_gather(n_ids, vocab, dim, 2 * dim)(ids, table)
  return out128[:, :dim].reshape(batch, seq, dim), attention_mask

# --- scband reference (transcript-rebuilt; emitter-appended) ---
"""Pipeline reference for scband-word-embeddings-44100724196032 (READ-ONLY COPY).

The authoritative reference and input builder live on the scoring server;
editing this copy changes nothing except your own understanding.
"""

import jax, jax.numpy as jnp
import numpy as np

NUM_EMBEDDINGS = 1000000
EMBED_DIM = 64
BATCH = 4096
SEQ = 200

def setup_inputs(seed: int = 0) -> dict:
    key = jax.random.key(seed)
    k1, k2 = jax.random.split(key)
    input_ids = jax.random.randint(k1, (BATCH, SEQ), 0, NUM_EMBEDDINGS, dtype=jnp.int64 if jax.config.jax_enable_x64 else jnp.int32)
    attention_mask = jnp.ones((BATCH, SEQ), dtype=input_ids.dtype)
    emb_weight = jax.random.normal(k2, (NUM_EMBEDDINGS, EMBED_DIM), dtype=jnp.float32) * 0.02
    return {"input_ids": input_ids, "attention_mask": attention_mask, "emb_weight": emb_weight}

def reference(input_ids, attention_mask, emb_weight):
    # Faithful translation of WordEmbeddings.forward:
    #   token_embeddings = self.emb_layer(features['input_ids'])
    #   cls_tokens = None (omitted; non-tensor)
    #   returns features dict with token_embeddings and attention_mask passthrough
    token_embeddings = jnp.take(emb_weight, input_ids, axis=0)
    return (token_embeddings, attention_mask)

if __name__ == "__main__":
    import jax
    _d = setup_inputs()
    print(jax.jit(kernel)(*tuple(_d.values())))

</pallas_src>

<mosaic_0001>
#map = affine_map<(d0, d1) -> (0, 0, 0)>
#map1 = affine_map<(d0, d1) -> (0, 0)>
module attributes {stable_mosaic.version = 14 : i64} {
  func.func @gather_kernel(%arg0: i32, %arg1: i32, %arg2: memref<32x200x128xi32, #tpu.memory_space<hbm>>, %arg3: memref<1000000x64xf32, #tpu.memory_space<hbm>>, %arg4: memref<819200x128xf32, #tpu.memory_space<hbm>>, %arg5: memref<200x128xi32, #tpu.memory_space<vmem>>, %arg6: memref<8x128x64xf32, #tpu.memory_space<vmem>>, %arg7: memref<8x!tpu.dma_semaphore, #tpu.memory_space<semaphore_mem>>) attributes {dimension_semantics = [#tpu.dimension_semantics<core_parallel>, #tpu.dimension_semantics<subcore_parallel>], iteration_bounds = array<i64: 2, 16>, scalar_prefetch = 0 : i64, scratch_operands = 3 : i64, tpu.core_type = #tpu.core_type<sc_vector_subcore>, window_params = [{transform_indices = #map}, {transform_indices = #map1}, {transform_indices = #map1}]} {
    %mul3A = arith.constant 2 : i32
    %mul3A_0 = arith.muli %arg1, %mul3A : i32
    %add3A = arith.addi %mul3A_0, %arg0 : i32
    %mul3A_1 = arith.constant 25600 : i32
    %mul3A_2 = arith.muli %add3A, %mul3A_1 : i32
    "tpu.region"() ({
      %run_scoped3A_269 = tpu.sem_alloc : memref<!tpu.dma_semaphore, #tpu.memory_space<semaphore_mem>>
      %dma_start3A_270 = arith.constant 0 : i32
      %dma_start3A_271 = arith.constant 0 : i32
      %dma_start3A_272 = tpu.memref_slice %arg2[%add3A, %dma_start3A_270, %dma_start3A_271] : memref<32x200x128xi32, #tpu.memory_space<hbm>> -> memref<1x200x128xi32, #tpu.memory_space<hbm>>
      %dma_start3A_273 = tpu.memref_squeeze %dma_start3A_272 : memref<1x200x128xi32, #tpu.memory_space<hbm>> -> memref<200x128xi32, #tpu.memory_space<hbm>>
      %dma_start3A_274 = arith.constant 0 : i32
      %dma_start3A_275 = arith.constant 0 : i32
      %dma_start3A_276 = tpu.memref_slice %arg2[%add3A, %dma_start3A_274, %dma_start3A_275] : memref<32x200x128xi32, #tpu.memory_space<hbm>> -> memref<1x200x128xi32, #tpu.memory_space<hbm>>
      %dma_start3A_277 = tpu.memref_squeeze %dma_start3A_276 : memref<1x200x128xi32, #tpu.memory_space<hbm>> -> memref<200x128xi32, #tpu.memory_space<hbm>>
      tpu.enqueue_dma source(%dma_start3A_277 : memref<200x128xi32, #tpu.memory_space<hbm>>) target(%arg5 : memref<200x128xi32, #tpu.memory_space<vmem>>) target_semaphore(%run_scoped3A_269 : memref<!tpu.dma_semaphore, #tpu.memory_space<semaphore_mem>>)
      %dma_wait3A_278 = arith.constant 0 : i32
      %dma_wait3A_279 = arith.constant 0 : i32
      %dma_wait3A_280 = tpu.memref_slice %arg2[%add3A, %dma_wait3A_278, %dma_wait3A_279] : memref<32x200x128xi32, #tpu.memory_space<hbm>> -> memref<1x200x128xi32, #tpu.memory_space<hbm>>
      %dma_wait3A_281 = tpu.memref_squeeze %dma_wait3A_280 : memref<1x200x128xi32, #tpu.memory_space<hbm>> -> memref<200x128xi32, #tpu.memory_space<hbm>>
      %dma_wait3A_282 = arith.constant 0 : i32
      %dma_wait3A_283 = arith.constant 0 : i32
      %dma_wait3A_284 = tpu.memref_slice %arg2[%add3A, %dma_wait3A_282, %dma_wait3A_283] : memref<32x200x128xi32, #tpu.memory_space<hbm>> -> memref<1x200x128xi32, #tpu.memory_space<hbm>>
      %dma_wait3A_285 = tpu.memref_squeeze %dma_wait3A_284 : memref<1x200x128xi32, #tpu.memory_space<hbm>> -> memref<200x128xi32, #tpu.memory_space<hbm>>
      tpu.wait_dma2 semaphore(%run_scoped3A_269 : memref<!tpu.dma_semaphore, #tpu.memory_space<semaphore_mem>>) src(%dma_wait3A_285 : memref<200x128xi32, #tpu.memory_space<hbm>>) dst(%arg5 : memref<200x128xi32, #tpu.memory_space<vmem>>)
      tpu.yield
    }) : () -> ()
    %dma_start3A = arith.constant 0 : i32
    %dma_start3A_3 = arith.constant 0 : i32
    %dma_start3A_4 = arith.constant 0 : i32
    %dma_start3A_5 = arith.constant 0 : i32
    %dma_start3A_6 = arith.constant 0 : i32
    %dma_start3A_7 = tpu.memref_slice %arg6[%dma_start3A_3, %dma_start3A_5, %dma_start3A_6] : memref<8x128x64xf32, #tpu.memory_space<vmem>> -> memref<1x128x64xf32, #tpu.memory_space<vmem>>
    %dma_start3A_8 = tpu.memref_squeeze %dma_start3A_7 : memref<1x128x64xf32, #tpu.memory_space<vmem>> -> memref<128x64xf32, #tpu.memory_space<vmem>>
    %dma_start3A_9 = arith.constant 0 : i32
    %dma_start3A_10 = tpu.memref_slice %arg5[%dma_start3A, %dma_start3A_9] : memref<200x128xi32, #tpu.memory_space<vmem>> -> memref<1x128xi32, #tpu.memory_space<vmem>>
    %dma_start3A_11 = tpu.memref_squeeze %dma_start3A_10 : memref<1x128xi32, #tpu.memory_space<vmem>> -> memref<128xi32, #tpu.memory_space<vmem>>
    %dma_start3A_12 = arith.constant 0 : i32
    %dma_start3A_13 = arith.constant 0 : i32
    %dma_start3A_14 = tpu.memref_slice %arg3[%dma_start3A_12, %dma_start3A_13] : memref<1000000x64xf32, #tpu.memory_space<hbm>> -> memref<1000000x64xf32, #tpu.memory_space<hbm>>
    %dma_start3A_15 = tpu.memref_slice %arg7[%dma_start3A_4] : memref<8x!tpu.dma_semaphore, #tpu.memory_space<semaphore_mem>> -> memref<1x!tpu.dma_semaphore, #tpu.memory_space<semaphore_mem>>
    %dma_start3A_16 = tpu.memref_squeeze %dma_start3A_15 : memref<1x!tpu.dma_semaphore, #tpu.memory_space<semaphore_mem>> -> memref<!tpu.dma_semaphore, #tpu.memory_space<semaphore_mem>>
    tpu.enqueue_indirect_dma source(%dma_start3A_14 : memref<1000000x64xf32, #tpu.memory_space<hbm>>) target(%dma_start3A_8 : memref<128x64xf32, #tpu.memory_space<vmem>>) offsets(%dma_start3A_11 : memref<128xi32, #tpu.memory_space<vmem>>) semaphore(%dma_start3A_16 : memref<!tpu.dma_semaphore, #tpu.memory_space<semaphore_mem>>)
    %dma_start3A_17 = arith.constant 1 : i32
    %dma_start3A_18 = arith.constant 1 : i32
    %dma_start3A_19 = arith.constant 1 : i32
    %dma_start3A_20 = arith.constant 0 : i32
    %dma_start3A_21 = arith.constant 0 : i32
    %dma_start3A_22 = tpu.memref_slice %arg6[%dma_start3A_18, %dma_start3A_20, %dma_start3A_21] : memref<8x128x64xf32, #tpu.memory_space<vmem>> -> memref<1x128x64xf32, #tpu.memory_space<vmem>>
    %dma_start3A_23 = tpu.memref_squeeze %dma_start3A_22 : memref<1x128x64xf32, #tpu.memory_space<vmem>> -> memref<128x64xf32, #tpu.memory_space<vmem>>
    %dma_start3A_24 = arith.constant 0 : i32
    %dma_start3A_25 = tpu.memref_slice %arg5[%dma_start3A_17, %dma_start3A_24] : memref<200x128xi32, #tpu.memory_space<vmem>> -> memref<1x128xi32, #tpu.memory_space<vmem>>
    %dma_start3A_26 = tpu.memref_squeeze %dma_start3A_25 : memref<1x128xi32, #tpu.memory_space<vmem>> -> memref<128xi32, #tpu.memory_space<vmem>>
    %dma_start3A_27 = arith.constant 0 : i32
    %dma_start3A_28 = arith.constant 0 : i32
    %dma_start3A_29 = tpu.memref_slice %arg3[%dma_start3A_27, %dma_start3A_28] : memref<1000000x64xf32, #tpu.memory_space<hbm>> -> memref<1000000x64xf32, #tpu.memory_space<hbm>>
    %dma_start3A_30 = tpu.memref_slice %arg7[%dma_start3A_19] : memref<8x!tpu.dma_semaphore, #tpu.memory_space<semaphore_mem>> -> memref<1x!tpu.dma_semaphore, #tpu.memory_space<semaphore_mem>>
    %dma_start3A_31 = tpu.memref_squeeze %dma_start3A_30 : memref<1x!tpu.dma_semaphore, #tpu.memory_space<semaphore_mem>> -> memref<!tpu.dma_semaphore, #tpu.memory_space<semaphore_mem>>
    tpu.enqueue_indirect_dma source(%dma_start3A_29 : memref<1000000x64xf32, #tpu.memory_space<hbm>>) target(%dma_start3A_23 : memref<128x64xf32, #tpu.memory_space<vmem>>) offsets(%dma_start3A_26 : memref<128xi32, #tpu.memory_space<vmem>>) semaphore(%dma_start3A_31 : memref<!tpu.dma_semaphore, #tpu.memory_space<semaphore_mem>>)
    %dma_start3A_32 = arith.constant 2 : i32
    %dma_start3A_33 = arith.constant 2 : i32
    %dma_start3A_34 = arith.constant 2 : i32
    %dma_start3A_35 = arith.constant 0 : i32
    %dma_start3A_36 = arith.constant 0 : i32
    %dma_start3A_37 = tpu.memref_slice %arg6[%dma_start3A_33, %dma_start3A_35, %dma_start3A_36] : memref<8x128x64xf32, #tpu.memory_space<vmem>> -> memref<1x128x64xf32, #tpu.memory_space<vmem>>
    %dma_start3A_38 = tpu.memref_squeeze %dma_start3A_37 : memref<1x128x64xf32, #tpu.memory_space<vmem>> -> memref<128x64xf32, #tpu.memory_space<vmem>>
    %dma_start3A_39 = arith.constant 0 : i32
    %dma_start3A_40 = tpu.memref_slice %arg5[%dma_start3A_32, %dma_start3A_39] : memref<200x128xi32, #tpu.memory_space<vmem>> -> memref<1x128xi32, #tpu.memory_space<vmem>>
    %dma_start3A_41 = tpu.memref_squeeze %dma_start3A_40 : memref<1x128xi32, #tpu.memory_space<vmem>> -> memref<128xi32, #tpu.memory_space<vmem>>
    %dma_start3A_42 = arith.constant 0 : i32
    %dma_start3A_43 = arith.constant 0 : i32
    %dma_start3A_44 = tpu.memref_slice %arg3[%dma_start3A_42, %dma_start3A_43] : memref<1000000x64xf32, #tpu.memory_space<hbm>> -> memref<1000000x64xf32, #tpu.memory_space<hbm>>
    %dma_start3A_45 = tpu.memref_slice %arg7[%dma_start3A_34] : memref<8x!tpu.dma_semaphore, #tpu.memory_space<semaphore_mem>> -> memref<1x!tpu.dma_semaphore, #tpu.memory_space<semaphore_mem>>
    %dma_start3A_46 = tpu.memref_squeeze %dma_start3A_45 : memref<1x!tpu.dma_semaphore, #tpu.memory_space<semaphore_mem>> -> memref<!tpu.dma_semaphore, #tpu.memory_space<semaphore_mem>>
    tpu.enqueue_indirect_dma source(%dma_start3A_44 : memref<1000000x64xf32, #tpu.memory_space<hbm>>) target(%dma_start3A_38 : memref<128x64xf32, #tpu.memory_space<vmem>>) offsets(%dma_start3A_41 : memref<128xi32, #tpu.memory_space<vmem>>) semaphore(%dma_start3A_46 : memref<!tpu.dma_semaphore, #tpu.memory_space<semaphore_mem>>)
    %dma_start3A_47 = arith.constant 3 : i32
    %dma_start3A_48 = arith.constant 3 : i32
    %dma_start3A_49 = arith.constant 3 : i32
    %dma_start3A_50 = arith.constant 0 : i32
    %dma_start3A_51 = arith.constant 0 : i32
    %dma_start3A_52 = tpu.memref_slice %arg6[%dma_start3A_48, %dma_start3A_50, %dma_start3A_51] : memref<8x128x64xf32, #tpu.memory_space<vmem>> -> memref<1x128x64xf32, #tpu.memory_space<vmem>>
    %dma_start3A_53 = tpu.memref_squeeze %dma_start3A_52 : memref<1x128x64xf32, #tpu.memory_space<vmem>> -> memref<128x64xf32, #tpu.memory_space<vmem>>
    %dma_start3A_54 = arith.constant 0 : i32
    %dma_start3A_55 = tpu.memref_slice %arg5[%dma_start3A_47, %dma_start3A_54] : memref<200x128xi32, #tpu.memory_space<vmem>> -> memref<1x128xi32, #tpu.memory_space<vmem>>
    %dma_start3A_56 = tpu.memref_squeeze %dma_start3A_55 : memref<1x128xi32, #tpu.memory_space<vmem>> -> memref<128xi32, #tpu.memory_space<vmem>>
    %dma_start3A_57 = arith.constant 0 : i32
    %dma_start3A_58 = arith.constant 0 : i32
    %dma_start3A_59 = tpu.memref_slice %arg3[%dma_start3A_57, %dma_start3A_58] : memref<1000000x64xf32, #tpu.memory_space<hbm>> -> memref<1000000x64xf32, #tpu.memory_space<hbm>>
    %dma_start3A_60 = tpu.memref_slice %arg7[%dma_start3A_49] : memref<8x!tpu.dma_semaphore, #tpu.memory_space<semaphore_mem>> -> memref<1x!tpu.dma_semaphore, #tpu.memory_space<semaphore_mem>>
    %dma_start3A_61 = tpu.memref_squeeze %dma_start3A_60 : memref<1x!tpu.dma_semaphore, #tpu.memory_space<semaphore_mem>> -> memref<!tpu.dma_semaphore, #tpu.memory_space<semaphore_mem>>
    tpu.enqueue_indirect_dma source(%dma_start3A_59 : memref<1000000x64xf32, #tpu.memory_space<hbm>>) target(%dma_start3A_53 : memref<128x64xf32, #tpu.memory_space<vmem>>) offsets(%dma_start3A_56 : memref<128xi32, #tpu.memory_space<vmem>>) semaphore(%dma_start3A_61 : memref<!tpu.dma_semaphore, #tpu.memory_space<semaphore_mem>>)
    %dma_start3A_62 = arith.constant 4 : i32
    %dma_start3A_63 = arith.constant 4 : i32
    %dma_start3A_64 = arith.constant 4 : i32
    %dma_start3A_65 = arith.constant 0 : i32
    %dma_start3A_66 = arith.constant 0 : i32
    %dma_start3A_67 = tpu.memref_slice %arg6[%dma_start3A_63, %dma_start3A_65, %dma_start3A_66] : memref<8x128x64xf32, #tpu.memory_space<vmem>> -> memref<1x128x64xf32, #tpu.memory_space<vmem>>
    %dma_start3A_68 = tpu.memref_squeeze %dma_start3A_67 : memref<1x128x64xf32, #tpu.memory_space<vmem>> -> memref<128x64xf32, #tpu.memory_space<vmem>>
    %dma_start3A_69 = arith.constant 0 : i32
    %dma_start3A_70 = tpu.memref_slice %arg5[%dma_start3A_62, %dma_start3A_69] : memref<200x128xi32, #tpu.memory_space<vmem>> -> memref<1x128xi32, #tpu.memory_space<vmem>>
    %dma_start3A_71 = tpu.memref_squeeze %dma_start3A_70 : memref<1x128xi32, #tpu.memory_space<vmem>> -> memref<128xi32, #tpu.memory_space<vmem>>
    %dma_start3A_72 = arith.constant 0 : i32
    %dma_start3A_73 = arith.constant 0 : i32
    %dma_start3A_74 = tpu.memref_slice %arg3[%dma_start3A_72, %dma_start3A_73] : memref<1000000x64xf32, #tpu.memory_space<hbm>> -> memref<1000000x64xf32, #tpu.memory_space<hbm>>
    %dma_start3A_75 = tpu.memref_slice %arg7[%dma_start3A_64] : memref<8x!tpu.dma_semaphore, #tpu.memory_space<semaphore_mem>> -> memref<1x!tpu.dma_semaphore, #tpu.memory_space<semaphore_mem>>
    %dma_start3A_76 = tpu.memref_squeeze %dma_start3A_75 : memref<1x!tpu.dma_semaphore, #tpu.memory_space<semaphore_mem>> -> memref<!tpu.dma_semaphore, #tpu.memory_space<semaphore_mem>>
    tpu.enqueue_indirect_dma source(%dma_start3A_74 : memref<1000000x64xf32, #tpu.memory_space<hbm>>) target(%dma_start3A_68 : memref<128x64xf32, #tpu.memory_space<vmem>>) offsets(%dma_start3A_71 : memref<128xi32, #tpu.memory_space<vmem>>) semaphore(%dma_start3A_76 : memref<!tpu.dma_semaphore, #tpu.memory_space<semaphore_mem>>)
    %dma_start3A_77 = arith.constant 5 : i32
    %dma_start3A_78 = arith.constant 5 : i32
    %dma_start3A_79 = arith.constant 5 : i32
    %dma_start3A_80 = arith.constant 0 : i32
    %dma_start3A_81 = arith.constant 0 : i32
    %dma_start3A_82 = tpu.memref_slice %arg6[%dma_start3A_78, %dma_start3A_80, %dma_start3A_81] : memref<8x128x64xf32, #tpu.memory_space<vmem>> -> memref<1x128x64xf32, #tpu.memory_space<vmem>>
    %dma_start3A_83 = tpu.memref_squeeze %dma_start3A_82 : memref<1x128x64xf32, #tpu.memory_space<vmem>> -> memref<128x64xf32, #tpu.memory_space<vmem>>
    %dma_start3A_84 = arith.constant 0 : i32
    %dma_start3A_85 = tpu.memref_slice %arg5[%dma_start3A_77, %dma_start3A_84] : memref<200x128xi32, #tpu.memory_space<vmem>> -> memref<1x128xi32, #tpu.memory_space<vmem>>
    %dma_start3A_86 = tpu.memref_squeeze %dma_start3A_85 : memref<1x128xi32, #tpu.memory_space<vmem>> -> memref<128xi32, #tpu.memory_space<vmem>>
    %dma_start3A_87 = arith.constant 0 : i32
    %dma_start3A_88 = arith.constant 0 : i32
    %dma_start3A_89 = tpu.memref_slice %arg3[%dma_start3A_87, %dma_start3A_88] : memref<1000000x64xf32, #tpu.memory_space<hbm>> -> memref<1000000x64xf32, #tpu.memory_space<hbm>>
    %dma_start3A_90 = tpu.memref_slice %arg7[%dma_start3A_79] : memref<8x!tpu.dma_semaphore, #tpu.memory_space<semaphore_mem>> -> memref<1x!tpu.dma_semaphore, #tpu.memory_space<semaphore_mem>>
    %dma_start3A_91 = tpu.memref_squeeze %dma_start3A_90 : memref<1x!tpu.dma_semaphore, #tpu.memory_space<semaphore_mem>> -> memref<!tpu.dma_semaphore, #tpu.memory_space<semaphore_mem>>
    tpu.enqueue_indirect_dma source(%dma_start3A_89 : memref<1000000x64xf32, #tpu.memory_space<hbm>>) target(%dma_start3A_83 : memref<128x64xf32, #tpu.memory_space<vmem>>) offsets(%dma_start3A_86 : memref<128xi32, #tpu.memory_space<vmem>>) semaphore(%dma_start3A_91 : memref<!tpu.dma_semaphore, #tpu.memory_space<semaphore_mem>>)
    %dma_start3A_92 = arith.constant 6 : i32
    %dma_start3A_93 = arith.constant 6 : i32
    %dma_start3A_94 = arith.constant 6 : i32
    %dma_start3A_95 = arith.constant 0 : i32
    %dma_start3A_96 = arith.constant 0 : i32
    %dma_start3A_97 = tpu.memref_slice %arg6[%dma_start3A_93, %dma_start3A_95, %dma_start3A_96] : memref<8x128x64xf32, #tpu.memory_space<vmem>> -> memref<1x128x64xf32, #tpu.memory_space<vmem>>
    %dma_start3A_98 = tpu.memref_squeeze %dma_start3A_97 : memref<1x128x64xf32, #tpu.memory_space<vmem>> -> memref<128x64xf32, #tpu.memory_space<vmem>>
    %dma_start3A_99 = arith.constant 0 : i32
    %dma_start3A_100 = tpu.memref_slice %arg5[%dma_start3A_92, %dma_start3A_99] : memref<200x128xi32, #tpu.memory_space<vmem>> -> memref<1x128xi32, #tpu.memory_space<vmem>>
    %dma_start3A_101 = tpu.memref_squeeze %dma_start3A_100 : memref<1x128xi32, #tpu.memory_space<vmem>> -> memref<128xi32, #tpu.memory_space<vmem>>
    %dma_start3A_102 = arith.constant 0 : i32
    %dma_start3A_103 = arith.constant 0 : i32
    %dma_start3A_104 = tpu.memref_slice %arg3[%dma_start3A_102, %dma_start3A_103] : memref<1000000x64xf32, #tpu.memory_space<hbm>> -> memref<1000000x64xf32, #tpu.memory_space<hbm>>
    %dma_start3A_105 = tpu.memref_slice %arg7[%dma_start3A_94] : memref<8x!tpu.dma_semaphore, #tpu.memory_space<semaphore_mem>> -> memref<1x!tpu.dma_semaphore, #tpu.memory_space<semaphore_mem>>
    %dma_start3A_106 = tpu.memref_squeeze %dma_start3A_105 : memref<1x!tpu.dma_semaphore, #tpu.memory_space<semaphore_mem>> -> memref<!tpu.dma_semaphore, #tpu.memory_space<semaphore_mem>>
    tpu.enqueue_indirect_dma source(%dma_start3A_104 : memref<1000000x64xf32, #tpu.memory_space<hbm>>) target(%dma_start3A_98 : memref<128x64xf32, #tpu.memory_space<vmem>>) offsets(%dma_start3A_101 : memref<128xi32, #tpu.memory_space<vmem>>) semaphore(%dma_start3A_106 : memref<!tpu.dma_semaphore, #tpu.memory_space<semaphore_mem>>)
    %dma_start3A_107 = arith.constant 7 : i32
    %dma_start3A_108 = arith.constant 7 : i32
    %dma_start3A_109 = arith.constant 7 : i32
    %dma_start3A_110 = arith.constant 0 : i32
    %dma_start3A_111 = arith.constant 0 : i32
    %dma_start3A_112 = tpu.memref_slice %arg6[%dma_start3A_108, %dma_start3A_110, %dma_start3A_111] : memref<8x128x64xf32, #tpu.memory_space<vmem>> -> memref<1x128x64xf32, #tpu.memory_space<vmem>>
    %dma_start3A_113 = tpu.memref_squeeze %dma_start3A_112 : memref<1x128x64xf32, #tpu.memory_space<vmem>> -> memref<128x64xf32, #tpu.memory_space<vmem>>
    %dma_start3A_114 = arith.constant 0 : i32
    %dma_start3A_115 = tpu.memref_slice %arg5[%dma_start3A_107, %dma_start3A_114] : memref<200x128xi32, #tpu.memory_space<vmem>> -> memref<1x128xi32, #tpu.memory_space<vmem>>
    %dma_start3A_116 = tpu.memref_squeeze %dma_start3A_115 : memref<1x128xi32, #tpu.memory_space<vmem>> -> memref<128xi32, #tpu.memory_space<vmem>>
    %dma_start3A_117 = arith.constant 0 : i32
    %dma_start3A_118 = arith.constant 0 : i32
    %dma_start3A_119 = tpu.memref_slice %arg3[%dma_start3A_117, %dma_start3A_118] : memref<1000000x64xf32, #tpu.memory_space<hbm>> -> memref<1000000x64xf32, #tpu.memory_space<hbm>>
    %dma_start3A_120 = tpu.memref_slice %arg7[%dma_start3A_109] : memref<8x!tpu.dma_semaphore, #tpu.memory_space<semaphore_mem>> -> memref<1x!tpu.dma_semaphore, #tpu.memory_space<semaphore_mem>>
    %dma_start3A_121 = tpu.memref_squeeze %dma_start3A_120 : memref<1x!tpu.dma_semaphore, #tpu.memory_space<semaphore_mem>> -> memref<!tpu.dma_semaphore, #tpu.memory_space<semaphore_mem>>
    tpu.enqueue_indirect_dma source(%dma_start3A_119 : memref<1000000x64xf32, #tpu.memory_space<hbm>>) target(%dma_start3A_113 : memref<128x64xf32, #tpu.memory_space<vmem>>) offsets(%dma_start3A_116 : memref<128xi32, #tpu.memory_space<vmem>>) semaphore(%dma_start3A_121 : memref<!tpu.dma_semaphore, #tpu.memory_space<semaphore_mem>>)
    %scan3A = arith.constant 0 : i32
    %scan3A_122 = arith.constant 0 : i32
    %scan3A_123 = arith.constant 192 : i32
    %scan3A_124 = arith.addi %scan3A_122, %scan3A_123 : i32
    %scan3A_125 = arith.constant 1 : i32
    scf.for %scan3A_269 = %scan3A_122 to %scan3A_124 step %scan3A_125  : i32 {
      %rem3A = arith.constant 8 : i32
      %rem3A_270 = arith.remsi %scan3A_269, %rem3A : i32
      %dma_wait3A_271 = arith.constant 0 : i32
      %dma_wait3A_272 = arith.constant 0 : i32
      %dma_wait3A_273 = tpu.memref_slice %arg6[%rem3A_270, %dma_wait3A_271, %dma_wait3A_272] : memref<8x128x64xf32, #tpu.memory_space<vmem>> -> memref<1x128x64xf32, #tpu.memory_space<vmem>>
      %dma_wait3A_274 = tpu.memref_squeeze %dma_wait3A_273 : memref<1x128x64xf32, #tpu.memory_space<vmem>> -> memref<128x64xf32, #tpu.memory_space<vmem>>
      %dma_wait3A_275 = arith.constant 0 : i32
      %dma_wait3A_276 = tpu.memref_slice %arg5[%scan3A_269, %dma_wait3A_275] : memref<200x128xi32, #tpu.memory_space<vmem>> -> memref<1x128xi32, #tpu.memory_space<vmem>>
      %dma_wait3A_277 = tpu.memref_squeeze %dma_wait3A_276 : memref<1x128xi32, #tpu.memory_space<vmem>> -> memref<128xi32, #tpu.memory_space<vmem>>
      %dma_wait3A_278 = arith.constant 0 : i32
      %dma_wait3A_279 = arith.constant 0 : i32
      %dma_wait3A_280 = tpu.memref_slice %arg3[%dma_wait3A_278, %dma_wait3A_279] : memref<1000000x64xf32, #tpu.memory_space<hbm>> -> memref<1000000x64xf32, #tpu.memory_space<hbm>>
      %dma_wait3A_281 = tpu.memref_slice %arg7[%rem3A_270] : memref<8x!tpu.dma_semaphore, #tpu.memory_space<semaphore_mem>> -> memref<1x!tpu.dma_semaphore, #tpu.memory_space<semaphore_mem>>
      %dma_wait3A_282 = tpu.memref_squeeze %dma_wait3A_281 : memref<1x!tpu.dma_semaphore, #tpu.memory_space<semaphore_mem>> -> memref<!tpu.dma_semaphore, #tpu.memory_space<semaphore_mem>>
      tpu.wait_indirect_dma semaphore(%dma_wait3A_282 : memref<!tpu.dma_semaphore, #tpu.memory_space<semaphore_mem>>) src(%dma_wait3A_280 : memref<1000000x64xf32, #tpu.memory_space<hbm>>) dst(%dma_wait3A_274 : memref<128x64xf32, #tpu.memory_space<vmem>>)
      %mul3A_283 = arith.constant 128 : i32
      %mul3A_284 = arith.muli %scan3A_269, %mul3A_283 : i32
      %add3A_285 = arith.addi %mul3A_2, %mul3A_284 : i32
      "tpu.region"() ({
        %run_scoped3A_300 = tpu.sem_alloc : memref<!tpu.dma_semaphore, #tpu.memory_space<semaphore_mem>>
        %dma_start3A_301 = arith.constant 0 : i32
        %dma_start3A_302 = arith.constant 0 : i32
        %dma_start3A_303 = tpu.memref_slice %arg6[%rem3A_270, %dma_start3A_301, %dma_start3A_302] : memref<8x128x64xf32, #tpu.memory_space<vmem>> -> memref<1x128x64xf32, #tpu.memory_space<vmem>>
        %dma_start3A_304 = tpu.memref_squeeze %dma_start3A_303 : memref<1x128x64xf32, #tpu.memory_space<vmem>> -> memref<128x64xf32, #tpu.memory_space<vmem>>
        %dma_start3A_305 = arith.constant 0 : i32
        %dma_start3A_306 = tpu.memref_slice %arg4[%add3A_285, %dma_start3A_305] : memref<819200x128xf32, #tpu.memory_space<hbm>> -> memref<128x64xf32, #tpu.memory_space<hbm>>
        %dma_start3A_307 = arith.constant 0 : i32
        %dma_start3A_308 = tpu.memref_slice %arg4[%add3A_285, %dma_start3A_307] : memref<819200x128xf32, #tpu.memory_space<hbm>> -> memref<128x64xf32, #tpu.memory_space<hbm>>
        %dma_start3A_309 = arith.constant 0 : i32
        %dma_start3A_310 = arith.constant 0 : i32
        %dma_start3A_311 = tpu.memref_slice %arg6[%rem3A_270, %dma_start3A_309, %dma_start3A_310] : memref<8x128x64xf32, #tpu.memory_space<vmem>> -> memref<1x128x64xf32, #tpu.memory_space<vmem>>
        %dma_start3A_312 = tpu.memref_squeeze %dma_start3A_311 : memref<1x128x64xf32, #tpu.memory_space<vmem>> -> memref<128x64xf32, #tpu.memory_space<vmem>>
        tpu.enqueue_dma source(%dma_start3A_312 : memref<128x64xf32, #tpu.memory_space<vmem>>) target(%dma_start3A_308 : memref<128x64xf32, #tpu.memory_space<hbm>>) target_semaphore(%run_scoped3A_300 : memref<!tpu.dma_semaphore, #tpu.memory_space<semaphore_mem>>)
        %dma_wait3A_313 = arith.constant 0 : i32
        %dma_wait3A_314 = arith.constant 0 : i32
        %dma_wait3A_315 = tpu.memref_slice %arg6[%rem3A_270, %dma_wait3A_313, %dma_wait3A_314] : memref<8x128x64xf32, #tpu.memory_space<vmem>> -> memref<1x128x64xf32, #tpu.memory_space<vmem>>
        %dma_wait3A_316 = tpu.memref_squeeze %dma_wait3A_315 : memref<1x128x64xf32, #tpu.memory_space<vmem>> -> memref<128x64xf32, #tpu.memory_space<vmem>>
        %dma_wait3A_317 = arith.constant 0 : i32
        %dma_wait3A_318 = tpu.memref_slice %arg4[%add3A_285, %dma_wait3A_317] : memref<819200x128xf32, #tpu.memory_space<hbm>> -> memref<128x64xf32, #tpu.memory_space<hbm>>
        %dma_wait3A_319 = arith.constant 0 : i32
        %dma_wait3A_320 = tpu.memref_slice %arg4[%add3A_285, %dma_wait3A_319] : memref<819200x128xf32, #tpu.memory_space<hbm>> -> memref<128x64xf32, #tpu.memory_space<hbm>>
        %dma_wait3A_321 = arith.constant 0 : i32
        %dma_wait3A_322 = arith.constant 0 : i32
        %dma_wait3A_323 = tpu.memref_slice %arg6[%rem3A_270, %dma_wait3A_321, %dma_wait3A_322] : memref<8x128x64xf32, #tpu.memory_space<vmem>> -> memref<1x128x64xf32, #tpu.memory_space<vmem>>
        %dma_wait3A_324 = tpu.memref_squeeze %dma_wait3A_323 : memref<1x128x64xf32, #tpu.memory_space<vmem>> -> memref<128x64xf32, #tpu.memory_space<vmem>>
        tpu.wait_dma2 semaphore(%run_scoped3A_300 : memref<!tpu.dma_semaphore, #tpu.memory_space<semaphore_mem>>) src(%dma_wait3A_324 : memref<128x64xf32, #tpu.memory_space<vmem>>) dst(%dma_wait3A_320 : memref<128x64xf32, #tpu.memory_space<hbm>>)
        tpu.yield
      }) : () -> ()
      %add3A_286 = arith.constant 8 : i32
      %add3A_287 = arith.addi %scan3A_269, %add3A_286 : i32
      %dma_start3A_288 = arith.constant 0 : i32
      %dma_start3A_289 = arith.constant 0 : i32
      %dma_start3A_290 = tpu.memref_slice %arg6[%rem3A_270, %dma_start3A_288, %dma_start3A_289] : memref<8x128x64xf32, #tpu.memory_space<vmem>> -> memref<1x128x64xf32, #tpu.memory_space<vmem>>
      %dma_start3A_291 = tpu.memref_squeeze %dma_start3A_290 : memref<1x128x64xf32, #tpu.memory_space<vmem>> -> memref<128x64xf32, #tpu.memory_space<vmem>>
      %dma_start3A_292 = arith.constant 0 : i32
      %dma_start3A_293 = tpu.memref_slice %arg5[%add3A_287, %dma_start3A_292] : memref<200x128xi32, #tpu.memory_space<vmem>> -> memref<1x128xi32, #tpu.memory_space<vmem>>
      %dma_start3A_294 = tpu.memref_squeeze %dma_start3A_293 : memref<1x128xi32, #tpu.memory_space<vmem>> -> memref<128xi32, #tpu.memory_space<vmem>>
      %dma_start3A_295 = arith.constant 0 : i32
      %dma_start3A_296 = arith.constant 0 : i32
      %dma_start3A_297 = tpu.memref_slice %arg3[%dma_start3A_295, %dma_start3A_296] : memref<1000000x64xf32, #tpu.memory_space<hbm>> -> memref<1000000x64xf32, #tpu.memory_space<hbm>>
      %dma_start3A_298 = tpu.memref_slice %arg7[%rem3A_270] : memref<8x!tpu.dma_semaphore, #tpu.memory_space<semaphore_mem>> -> memref<1x!tpu.dma_semaphore, #tpu.memory_space<semaphore_mem>>
      %dma_start3A_299 = tpu.memref_squeeze %dma_start3A_298 : memref<1x!tpu.dma_semaphore, #tpu.memory_space<semaphore_mem>> -> memref<!tpu.dma_semaphore, #tpu.memory_space<semaphore_mem>>
      tpu.enqueue_indirect_dma source(%dma_start3A_297 : memref<1000000x64xf32, #tpu.memory_space<hbm>>) target(%dma_start3A_291 : memref<128x64xf32, #tpu.memory_space<vmem>>) offsets(%dma_start3A_294 : memref<128xi32, #tpu.memory_space<vmem>>) semaphore(%dma_start3A_299 : memref<!tpu.dma_semaphore, #tpu.memory_space<semaphore_mem>>)
    }
    %scan3A_126 = arith.constant 192 : i32
    %dma_wait3A = arith.constant 192 : i32
    %dma_wait3A_127 = arith.constant 0 : i32
    %dma_wait3A_128 = arith.constant 0 : i32
    %dma_wait3A_129 = arith.constant 0 : i32
    %dma_wait3A_130 = arith.constant 0 : i32
    %dma_wait3A_131 = tpu.memref_slice %arg6[%dma_wait3A_127, %dma_wait3A_129, %dma_wait3A_130] : memref<8x128x64xf32, #tpu.memory_space<vmem>> -> memref<1x128x64xf32, #tpu.memory_space<vmem>>
    %dma_wait3A_132 = tpu.memref_squeeze %dma_wait3A_131 : memref<1x128x64xf32, #tpu.memory_space<vmem>> -> memref<128x64xf32, #tpu.memory_space<vmem>>
    %dma_wait3A_133 = arith.constant 0 : i32
    %dma_wait3A_134 = tpu.memref_slice %arg5[%dma_wait3A, %dma_wait3A_133] : memref<200x128xi32, #tpu.memory_space<vmem>> -> memref<1x128xi32, #tpu.memory_space<vmem>>
    %dma_wait3A_135 = tpu.memref_squeeze %dma_wait3A_134 : memref<1x128xi32, #tpu.memory_space<vmem>> -> memref<128xi32, #tpu.memory_space<vmem>>
    %dma_wait3A_136 = arith.constant 0 : i32
    %dma_wait3A_137 = arith.constant 0 : i32
    %dma_wait3A_138 = tpu.memref_slice %arg3[%dma_wait3A_136, %dma_wait3A_137] : memref<1000000x64xf32, #tpu.memory_space<hbm>> -> memref<1000000x64xf32, #tpu.memory_space<hbm>>
    %dma_wait3A_139 = tpu.memref_slice %arg7[%dma_wait3A_128] : memref<8x!tpu.dma_semaphore, #tpu.memory_space<semaphore_mem>> -> memref<1x!tpu.dma_semaphore, #tpu.memory_space<semaphore_mem>>
    %dma_wait3A_140 = tpu.memref_squeeze %dma_wait3A_139 : memref<1x!tpu.dma_semaphore, #tpu.memory_space<semaphore_mem>> -> memref<!tpu.dma_semaphore, #tpu.memory_space<semaphore_mem>>
    tpu.wait_indirect_dma semaphore(%dma_wait3A_140 : memref<!tpu.dma_semaphore, #tpu.memory_space<semaphore_mem>>) src(%dma_wait3A_138 : memref<1000000x64xf32, #tpu.memory_space<hbm>>) dst(%dma_wait3A_132 : memref<128x64xf32, #tpu.memory_space<vmem>>)
    %add3A_141 = arith.constant 24576 : i32
    %add3A_142 = arith.addi %mul3A_2, %add3A_141 : i32
    %run_scoped3A = arith.constant 0 : i32
    "tpu.region"() ({
      %run_scoped3A_269 = tpu.sem_alloc : memref<!tpu.dma_semaphore, #tpu.memory_space<semaphore_mem>>
      %dma_start3A_270 = arith.constant 0 : i32
      %dma_start3A_271 = arith.constant 0 : i32
      %dma_start3A_272 = tpu.memref_slice %arg6[%run_scoped3A, %dma_start3A_270, %dma_start3A_271] : memref<8x128x64xf32, #tpu.memory_space<vmem>> -> memref<1x128x64xf32, #tpu.memory_space<vmem>>
      %dma_start3A_273 = tpu.memref_squeeze %dma_start3A_272 : memref<1x128x64xf32, #tpu.memory_space<vmem>> -> memref<128x64xf32, #tpu.memory_space<vmem>>
      %dma_start3A_274 = arith.constant 0 : i32
      %dma_start3A_275 = tpu.memref_slice %arg4[%add3A_142, %dma_start3A_274] : memref<819200x128xf32, #tpu.memory_space<hbm>> -> memref<128x64xf32, #tpu.memory_space<hbm>>
      %dma_start3A_276 = arith.constant 0 : i32
      %dma_start3A_277 = tpu.memref_slice %arg4[%add3A_142, %dma_start3A_276] : memref<819200x128xf32, #tpu.memory_space<hbm>> -> memref<128x64xf32, #tpu.memory_space<hbm>>
      %dma_start3A_278 = arith.constant 0 : i32
      %dma_start3A_279 = arith.constant 0 : i32
      %dma_start3A_280 = tpu.memref_slice %arg6[%run_scoped3A, %dma_start3A_278, %dma_start3A_279] : memref<8x128x64xf32, #tpu.memory_space<vmem>> -> memref<1x128x64xf32, #tpu.memory_space<vmem>>
      %dma_start3A_281 = tpu.memref_squeeze %dma_start3A_280 : memref<1x128x64xf32, #tpu.memory_space<vmem>> -> memref<128x64xf32, #tpu.memory_space<vmem>>
      tpu.enqueue_dma source(%dma_start3A_281 : memref<128x64xf32, #tpu.memory_space<vmem>>) target(%dma_start3A_277 : memref<128x64xf32, #tpu.memory_space<hbm>>) target_semaphore(%run_scoped3A_269 : memref<!tpu.dma_semaphore, #tpu.memory_space<semaphore_mem>>)
      %dma_wait3A_282 = arith.constant 0 : i32
      %dma_wait3A_283 = arith.constant 0 : i32
      %dma_wait3A_284 = tpu.memref_slice %arg6[%run_scoped3A, %dma_wait3A_282, %dma_wait3A_283] : memref<8x128x64xf32, #tpu.memory_space<vmem>> -> memref<1x128x64xf32, #tpu.memory_space<vmem>>
      %dma_wait3A_285 = tpu.memref_squeeze %dma_wait3A_284 : memref<1x128x64xf32, #tpu.memory_space<vmem>> -> memref<128x64xf32, #tpu.memory_space<vmem>>
      %dma_wait3A_286 = arith.constant 0 : i32
      %dma_wait3A_287 = tpu.memref_slice %arg4[%add3A_142, %dma_wait3A_286] : memref<819200x128xf32, #tpu.memory_space<hbm>> -> memref<128x64xf32, #tpu.memory_space<hbm>>
      %dma_wait3A_288 = arith.constant 0 : i32
      %dma_wait3A_289 = tpu.memref_slice %arg4[%add3A_142, %dma_wait3A_288] : memref<819200x128xf32, #tpu.memory_space<hbm>> -> memref<128x64xf32, #tpu.memory_space<hbm>>
      %dma_wait3A_290 = arith.constant 0 : i32
      %dma_wait3A_291 = arith.constant 0 : i32
      %dma_wait3A_292 = tpu.memref_slice %arg6[%run_scoped3A, %dma_wait3A_290, %dma_wait3A_291] : memref<8x128x64xf32, #tpu.memory_space<vmem>> -> memref<1x128x64xf32, #tpu.memory_space<vmem>>
      %dma_wait3A_293 = tpu.memref_squeeze %dma_wait3A_292 : memref<1x128x64xf32, #tpu.memory_space<vmem>> -> memref<128x64xf32, #tpu.memory_space<vmem>>
      tpu.wait_dma2 semaphore(%run_scoped3A_269 : memref<!tpu.dma_semaphore, #tpu.memory_space<semaphore_mem>>) src(%dma_wait3A_293 : memref<128x64xf32, #tpu.memory_space<vmem>>) dst(%dma_wait3A_289 : memref<128x64xf32, #tpu.memory_space<hbm>>)
      tpu.yield
    }) : () -> ()
    %dma_wait3A_143 = arith.constant 193 : i32
    %dma_wait3A_144 = arith.constant 1 : i32
    %dma_wait3A_145 = arith.constant 1 : i32
    %dma_wait3A_146 = arith.constant 0 : i32
    %dma_wait3A_147 = arith.constant 0 : i32
    %dma_wait3A_148 = tpu.memref_slice %arg6[%dma_wait3A_144, %dma_wait3A_146, %dma_wait3A_147] : memref<8x128x64xf32, #tpu.memory_space<vmem>> -> memref<1x128x64xf32, #tpu.memory_space<vmem>>
    %dma_wait3A_149 = tpu.memref_squeeze %dma_wait3A_148 : memref<1x128x64xf32, #tpu.memory_space<vmem>> -> memref<128x64xf32, #tpu.memory_space<vmem>>
    %dma_wait3A_150 = arith.constant 0 : i32
    %dma_wait3A_151 = tpu.memref_slice %arg5[%dma_wait3A_143, %dma_wait3A_150] : memref<200x128xi32, #tpu.memory_space<vmem>> -> memref<1x128xi32, #tpu.memory_space<vmem>>
    %dma_wait3A_152 = tpu.memref_squeeze %dma_wait3A_151 : memref<1x128xi32, #tpu.memory_space<vmem>> -> memref<128xi32, #tpu.memory_space<vmem>>
    %dma_wait3A_153 = arith.constant 0 : i32
    %dma_wait3A_154 = arith.constant 0 : i32
    %dma_wait3A_155 = tpu.memref_slice %arg3[%dma_wait3A_153, %dma_wait3A_154] : memref<1000000x64xf32, #tpu.memory_space<hbm>> -> memref<1000000x64xf32, #tpu.memory_space<hbm>>
    %dma_wait3A_156 = tpu.memref_slice %arg7[%dma_wait3A_145] : memref<8x!tpu.dma_semaphore, #tpu.memory_space<semaphore_mem>> -> memref<1x!tpu.dma_semaphore, #tpu.memory_space<semaphore_mem>>
    %dma_wait3A_157 = tpu.memref_squeeze %dma_wait3A_156 : memref<1x!tpu.dma_semaphore, #tpu.memory_space<semaphore_mem>> -> memref<!tpu.dma_semaphore, #tpu.memory_space<semaphore_mem>>
    tpu.wait_indirect_dma semaphore(%dma_wait3A_157 : memref<!tpu.dma_semaphore, #tpu.memory_space<semaphore_mem>>) src(%dma_wait3A_155 : memref<1000000x64xf32, #tpu.memory_space<hbm>>) dst(%dma_wait3A_149 : memref<128x64xf32, #tpu.memory_space<vmem>>)
    %add3A_158 = arith.constant 24704 : i32
    %add3A_159 = arith.addi %mul3A_2, %add3A_158 : i32
    %run_scoped3A_160 = arith.constant 1 : i32
    "tpu.region"() ({
      %run_scoped3A_269 = tpu.sem_alloc : memref<!tpu.dma_semaphore, #tpu.memory_space<semaphore_mem>>
      %dma_start3A_270 = arith.constant 0 : i32
      %dma_start3A_271 = arith.constant 0 : i32
      %dma_start3A_272 = tpu.memref_slice %arg6[%run_scoped3A_160, %dma_start3A_270, %dma_start3A_271] : memref<8x128x64xf32, #tpu.memory_space<vmem>> -> memref<1x128x64xf32, #tpu.memory_space<vmem>>
      %dma_start3A_273 = tpu.memref_squeeze %dma_start3A_272 : memref<1x128x64xf32, #tpu.memory_space<vmem>> -> memref<128x64xf32, #tpu.memory_space<vmem>>
      %dma_start3A_274 = arith.constant 0 : i32
      %dma_start3A_275 = tpu.memref_slice %arg4[%add3A_159, %dma_start3A_274] : memref<819200x128xf32, #tpu.memory_space<hbm>> -> memref<128x64xf32, #tpu.memory_space<hbm>>
      %dma_start3A_276 = arith.constant 0 : i32
      %dma_start3A_277 = tpu.memref_slice %arg4[%add3A_159, %dma_start3A_276] : memref<819200x128xf32, #tpu.memory_space<hbm>> -> memref<128x64xf32, #tpu.memory_space<hbm>>
      %dma_start3A_278 = arith.constant 0 : i32
      %dma_start3A_279 = arith.constant 0 : i32
      %dma_start3A_280 = tpu.memref_slice %arg6[%run_scoped3A_160, %dma_start3A_278, %dma_start3A_279] : memref<8x128x64xf32, #tpu.memory_space<vmem>> -> memref<1x128x64xf32, #tpu.memory_space<vmem>>
      %dma_start3A_281 = tpu.memref_squeeze %dma_start3A_280 : memref<1x128x64xf32, #tpu.memory_space<vmem>> -> memref<128x64xf32, #tpu.memory_space<vmem>>
      tpu.enqueue_dma source(%dma_start3A_281 : memref<128x64xf32, #tpu.memory_space<vmem>>) target(%dma_start3A_277 : memref<128x64xf32, #tpu.memory_space<hbm>>) target_semaphore(%run_scoped3A_269 : memref<!tpu.dma_semaphore, #tpu.memory_space<semaphore_mem>>)
      %dma_wait3A_282 = arith.constant 0 : i32
      %dma_wait3A_283 = arith.constant 0 : i32
      %dma_wait3A_284 = tpu.memref_slice %arg6[%run_scoped3A_160, %dma_wait3A_282, %dma_wait3A_283] : memref<8x128x64xf32, #tpu.memory_space<vmem>> -> memref<1x128x64xf32, #tpu.memory_space<vmem>>
      %dma_wait3A_285 = tpu.memref_squeeze %dma_wait3A_284 : memref<1x128x64xf32, #tpu.memory_space<vmem>> -> memref<128x64xf32, #tpu.memory_space<vmem>>
      %dma_wait3A_286 = arith.constant 0 : i32
      %dma_wait3A_287 = tpu.memref_slice %arg4[%add3A_159, %dma_wait3A_286] : memref<819200x128xf32, #tpu.memory_space<hbm>> -> memref<128x64xf32, #tpu.memory_space<hbm>>
      %dma_wait3A_288 = arith.constant 0 : i32
      %dma_wait3A_289 = tpu.memref_slice %arg4[%add3A_159, %dma_wait3A_288] : memref<819200x128xf32, #tpu.memory_space<hbm>> -> memref<128x64xf32, #tpu.memory_space<hbm>>
      %dma_wait3A_290 = arith.constant 0 : i32
      %dma_wait3A_291 = arith.constant 0 : i32
      %dma_wait3A_292 = tpu.memref_slice %arg6[%run_scoped3A_160, %dma_wait3A_290, %dma_wait3A_291] : memref<8x128x64xf32, #tpu.memory_space<vmem>> -> memref<1x128x64xf32, #tpu.memory_space<vmem>>
      %dma_wait3A_293 = tpu.memref_squeeze %dma_wait3A_292 : memref<1x128x64xf32, #tpu.memory_space<vmem>> -> memref<128x64xf32, #tpu.memory_space<vmem>>
      tpu.wait_dma2 semaphore(%run_scoped3A_269 : memref<!tpu.dma_semaphore, #tpu.memory_space<semaphore_mem>>) src(%dma_wait3A_293 : memref<128x64xf32, #tpu.memory_space<vmem>>) dst(%dma_wait3A_289 : memref<128x64xf32, #tpu.memory_space<hbm>>)
      tpu.yield
    }) : () -> ()
    %dma_wait3A_161 = arith.constant 194 : i32
    %dma_wait3A_162 = arith.constant 2 : i32
    %dma_wait3A_163 = arith.constant 2 : i32
    %dma_wait3A_164 = arith.constant 0 : i32
    %dma_wait3A_165 = arith.constant 0 : i32
    %dma_wait3A_166 = tpu.memref_slice %arg6[%dma_wait3A_162, %dma_wait3A_164, %dma_wait3A_165] : memref<8x128x64xf32, #tpu.memory_space<vmem>> -> memref<1x128x64xf32, #tpu.memory_space<vmem>>
    %dma_wait3A_167 = tpu.memref_squeeze %dma_wait3A_166 : memref<1x128x64xf32, #tpu.memory_space<vmem>> -> memref<128x64xf32, #tpu.memory_space<vmem>>
    %dma_wait3A_168 = arith.constant 0 : i32
    %dma_wait3A_169 = tpu.memref_slice %arg5[%dma_wait3A_161, %dma_wait3A_168] : memref<200x128xi32, #tpu.memory_space<vmem>> -> memref<1x128xi32, #tpu.memory_space<vmem>>
    %dma_wait3A_170 = tpu.memref_squeeze %dma_wait3A_169 : memref<1x128xi32, #tpu.memory_space<vmem>> -> memref<128xi32, #tpu.memory_space<vmem>>
    %dma_wait3A_171 = arith.constant 0 : i32
    %dma_wait3A_172 = arith.constant 0 : i32
    %dma_wait3A_173 = tpu.memref_slice %arg3[%dma_wait3A_171, %dma_wait3A_172] : memref<1000000x64xf32, #tpu.memory_space<hbm>> -> memref<1000000x64xf32, #tpu.memory_space<hbm>>
    %dma_wait3A_174 = tpu.memref_slice %arg7[%dma_wait3A_163] : memref<8x!tpu.dma_semaphore, #tpu.memory_space<semaphore_mem>> -> memref<1x!tpu.dma_semaphore, #tpu.memory_space<semaphore_mem>>
    %dma_wait3A_175 = tpu.memref_squeeze %dma_wait3A_174 : memref<1x!tpu.dma_semaphore, #tpu.memory_space<semaphore_mem>> -> memref<!tpu.dma_semaphore, #tpu.memory_space<semaphore_mem>>
    tpu.wait_indirect_dma semaphore(%dma_wait3A_175 : memref<!tpu.dma_semaphore, #tpu.memory_space<semaphore_mem>>) src(%dma_wait3A_173 : memref<1000000x64xf32, #tpu.memory_space<hbm>>) dst(%dma_wait3A_167 : memref<128x64xf32, #tpu.memory_space<vmem>>)
    %add3A_176 = arith.constant 24832 : i32
    %add3A_177 = arith.addi %mul3A_2, %add3A_176 : i32
    %run_scoped3A_178 = arith.constant 2 : i32
    "tpu.region"() ({
      %run_scoped3A_269 = tpu.sem_alloc : memref<!tpu.dma_semaphore, #tpu.memory_space<semaphore_mem>>
      %dma_start3A_270 = arith.constant 0 : i32
      %dma_start3A_271 = arith.constant 0 : i32
      %dma_start3A_272 = tpu.memref_slice %arg6[%run_scoped3A_178, %dma_start3A_270, %dma_start3A_271] : memref<8x128x64xf32, #tpu.memory_space<vmem>> -> memref<1x128x64xf32, #tpu.memory_space<vmem>>
      %dma_start3A_273 = tpu.memref_squeeze %dma_start3A_272 : memref<1x128x64xf32, #tpu.memory_space<vmem>> -> memref<128x64xf32, #tpu.memory_space<vmem>>
      %dma_start3A_274 = arith.constant 0 : i32
      %dma_start3A_275 = tpu.memref_slice %arg4[%add3A_177, %dma_start3A_274] : memref<819200x128xf32, #tpu.memory_space<hbm>> -> memref<128x64xf32, #tpu.memory_space<hbm>>
      %dma_start3A_276 = arith.constant 0 : i32
      %dma_start3A_277 = tpu.memref_slice %arg4[%add3A_177, %dma_start3A_276] : memref<819200x128xf32, #tpu.memory_space<hbm>> -> memref<128x64xf32, #tpu.memory_space<hbm>>
      %dma_start3A_278 = arith.constant 0 : i32
      %dma_start3A_279 = arith.constant 0 : i32
      %dma_start3A_280 = tpu.memref_slice %arg6[%run_scoped3A_178, %dma_start3A_278, %dma_start3A_279] : memref<8x128x64xf32, #tpu.memory_space<vmem>> -> memref<1x128x64xf32, #tpu.memory_space<vmem>>
      %dma_start3A_281 = tpu.memref_squeeze %dma_start3A_280 : memref<1x128x64xf32, #tpu.memory_space<vmem>> -> memref<128x64xf32, #tpu.memory_space<vmem>>
      tpu.enqueue_dma source(%dma_start3A_281 : memref<128x64xf32, #tpu.memory_space<vmem>>) target(%dma_start3A_277 : memref<128x64xf32, #tpu.memory_space<hbm>>) target_semaphore(%run_scoped3A_269 : memref<!tpu.dma_semaphore, #tpu.memory_space<semaphore_mem>>)
      %dma_wait3A_282 = arith.constant 0 : i32
      %dma_wait3A_283 = arith.constant 0 : i32
      %dma_wait3A_284 = tpu.memref_slice %arg6[%run_scoped3A_178, %dma_wait3A_282, %dma_wait3A_283] : memref<8x128x64xf32, #tpu.memory_space<vmem>> -> memref<1x128x64xf32, #tpu.memory_space<vmem>>
      %dma_wait3A_285 = tpu.memref_squeeze %dma_wait3A_284 : memref<1x128x64xf32, #tpu.memory_space<vmem>> -> memref<128x64xf32, #tpu.memory_space<vmem>>
      %dma_wait3A_286 = arith.constant 0 : i32
      %dma_wait3A_287 = tpu.memref_slice %arg4[%add3A_177, %dma_wait3A_286] : memref<819200x128xf32, #tpu.memory_space<hbm>> -> memref<128x64xf32, #tpu.memory_space<hbm>>
      %dma_wait3A_288 = arith.constant 0 : i32
      %dma_wait3A_289 = tpu.memref_slice %arg4[%add3A_177, %dma_wait3A_288] : memref<819200x128xf32, #tpu.memory_space<hbm>> -> memref<128x64xf32, #tpu.memory_space<hbm>>
      %dma_wait3A_290 = arith.constant 0 : i32
      %dma_wait3A_291 = arith.constant 0 : i32
      %dma_wait3A_292 = tpu.memref_slice %arg6[%run_scoped3A_178, %dma_wait3A_290, %dma_wait3A_291] : memref<8x128x64xf32, #tpu.memory_space<vmem>> -> memref<1x128x64xf32, #tpu.memory_space<vmem>>
      %dma_wait3A_293 = tpu.memref_squeeze %dma_wait3A_292 : memref<1x128x64xf32, #tpu.memory_space<vmem>> -> memref<128x64xf32, #tpu.memory_space<vmem>>
      tpu.wait_dma2 semaphore(%run_scoped3A_269 : memref<!tpu.dma_semaphore, #tpu.memory_space<semaphore_mem>>) src(%dma_wait3A_293 : memref<128x64xf32, #tpu.memory_space<vmem>>) dst(%dma_wait3A_289 : memref<128x64xf32, #tpu.memory_space<hbm>>)
      tpu.yield
    }) : () -> ()
    %dma_wait3A_179 = arith.constant 195 : i32
    %dma_wait3A_180 = arith.constant 3 : i32
    %dma_wait3A_181 = arith.constant 3 : i32
    %dma_wait3A_182 = arith.constant 0 : i32
    %dma_wait3A_183 = arith.constant 0 : i32
    %dma_wait3A_184 = tpu.memref_slice %arg6[%dma_wait3A_180, %dma_wait3A_182, %dma_wait3A_183] : memref<8x128x64xf32, #tpu.memory_space<vmem>> -> memref<1x128x64xf32, #tpu.memory_space<vmem>>
    %dma_wait3A_185 = tpu.memref_squeeze %dma_wait3A_184 : memref<1x128x64xf32, #tpu.memory_space<vmem>> -> memref<128x64xf32, #tpu.memory_space<vmem>>
    %dma_wait3A_186 = arith.constant 0 : i32
    %dma_wait3A_187 = tpu.memref_slice %arg5[%dma_wait3A_179, %dma_wait3A_186] : memref<200x128xi32, #tpu.memory_space<vmem>> -> memref<1x128xi32, #tpu.memory_space<vmem>>
    %dma_wait3A_188 = tpu.memref_squeeze %dma_wait3A_187 : memref<1x128xi32, #tpu.memory_space<vmem>> -> memref<128xi32, #tpu.memory_space<vmem>>
    %dma_wait3A_189 = arith.constant 0 : i32
    %dma_wait3A_190 = arith.constant 0 : i32
    %dma_wait3A_191 = tpu.memref_slice %arg3[%dma_wait3A_189, %dma_wait3A_190] : memref<1000000x64xf32, #tpu.memory_space<hbm>> -> memref<1000000x64xf32, #tpu.memory_space<hbm>>
    %dma_wait3A_192 = tpu.memref_slice %arg7[%dma_wait3A_181] : memref<8x!tpu.dma_semaphore, #tpu.memory_space<semaphore_mem>> -> memref<1x!tpu.dma_semaphore, #tpu.memory_space<semaphore_mem>>
    %dma_wait3A_193 = tpu.memref_squeeze %dma_wait3A_192 : memref<1x!tpu.dma_semaphore, #tpu.memory_space<semaphore_mem>> -> memref<!tpu.dma_semaphore, #tpu.memory_space<semaphore_mem>>
    tpu.wait_indirect_dma semaphore(%dma_wait3A_193 : memref<!tpu.dma_semaphore, #tpu.memory_space<semaphore_mem>>) src(%dma_wait3A_191 : memref<1000000x64xf32, #tpu.memory_space<hbm>>) dst(%dma_wait3A_185 : memref<128x64xf32, #tpu.memory_space<vmem>>)
    %add3A_194 = arith.constant 24960 : i32
    %add3A_195 = arith.addi %mul3A_2, %add3A_194 : i32
    %run_scoped3A_196 = arith.constant 3 : i32
    "tpu.region"() ({
      %run_scoped3A_269 = tpu.sem_alloc : memref<!tpu.dma_semaphore, #tpu.memory_space<semaphore_mem>>
      %dma_start3A_270 = arith.constant 0 : i32
      %dma_start3A_271 = arith.constant 0 : i32
      %dma_start3A_272 = tpu.memref_slice %arg6[%run_scoped3A_196, %dma_start3A_270, %dma_start3A_271] : memref<8x128x64xf32, #tpu.memory_space<vmem>> -> memref<1x128x64xf32, #tpu.memory_space<vmem>>
      %dma_start3A_273 = tpu.memref_squeeze %dma_start3A_272 : memref<1x128x64xf32, #tpu.memory_space<vmem>> -> memref<128x64xf32, #tpu.memory_space<vmem>>
      %dma_start3A_274 = arith.constant 0 : i32
      %dma_start3A_275 = tpu.memref_slice %arg4[%add3A_195, %dma_start3A_274] : memref<819200x128xf32, #tpu.memory_space<hbm>> -> memref<128x64xf32, #tpu.memory_space<hbm>>
      %dma_start3A_276 = arith.constant 0 : i32
      %dma_start3A_277 = tpu.memref_slice %arg4[%add3A_195, %dma_start3A_276] : memref<819200x128xf32, #tpu.memory_space<hbm>> -> memref<128x64xf32, #tpu.memory_space<hbm>>
      %dma_start3A_278 = arith.constant 0 : i32
      %dma_start3A_279 = arith.constant 0 : i32
      %dma_start3A_280 = tpu.memref_slice %arg6[%run_scoped3A_196, %dma_start3A_278, %dma_start3A_279] : memref<8x128x64xf32, #tpu.memory_space<vmem>> -> memref<1x128x64xf32, #tpu.memory_space<vmem>>
      %dma_start3A_281 = tpu.memref_squeeze %dma_start3A_280 : memref<1x128x64xf32, #tpu.memory_space<vmem>> -> memref<128x64xf32, #tpu.memory_space<vmem>>
      tpu.enqueue_dma source(%dma_start3A_281 : memref<128x64xf32, #tpu.memory_space<vmem>>) target(%dma_start3A_277 : memref<128x64xf32, #tpu.memory_space<hbm>>) target_semaphore(%run_scoped3A_269 : memref<!tpu.dma_semaphore, #tpu.memory_space<semaphore_mem>>)
      %dma_wait3A_282 = arith.constant 0 : i32
      %dma_wait3A_283 = arith.constant 0 : i32
      %dma_wait3A_284 = tpu.memref_slice %arg6[%run_scoped3A_196, %dma_wait3A_282, %dma_wait3A_283] : memref<8x128x64xf32, #tpu.memory_space<vmem>> -> memref<1x128x64xf32, #tpu.memory_space<vmem>>
      %dma_wait3A_285 = tpu.memref_squeeze %dma_wait3A_284 : memref<1x128x64xf32, #tpu.memory_space<vmem>> -> memref<128x64xf32, #tpu.memory_space<vmem>>
      %dma_wait3A_286 = arith.constant 0 : i32
      %dma_wait3A_287 = tpu.memref_slice %arg4[%add3A_195, %dma_wait3A_286] : memref<819200x128xf32, #tpu.memory_space<hbm>> -> memref<128x64xf32, #tpu.memory_space<hbm>>
      %dma_wait3A_288 = arith.constant 0 : i32
      %dma_wait3A_289 = tpu.memref_slice %arg4[%add3A_195, %dma_wait3A_288] : memref<819200x128xf32, #tpu.memory_space<hbm>> -> memref<128x64xf32, #tpu.memory_space<hbm>>
      %dma_wait3A_290 = arith.constant 0 : i32
      %dma_wait3A_291 = arith.constant 0 : i32
      %dma_wait3A_292 = tpu.memref_slice %arg6[%run_scoped3A_196, %dma_wait3A_290, %dma_wait3A_291] : memref<8x128x64xf32, #tpu.memory_space<vmem>> -> memref<1x128x64xf32, #tpu.memory_space<vmem>>
      %dma_wait3A_293 = tpu.memref_squeeze %dma_wait3A_292 : memref<1x128x64xf32, #tpu.memory_space<vmem>> -> memref<128x64xf32, #tpu.memory_space<vmem>>
      tpu.wait_dma2 semaphore(%run_scoped3A_269 : memref<!tpu.dma_semaphore, #tpu.memory_space<semaphore_mem>>) src(%dma_wait3A_293 : memref<128x64xf32, #tpu.memory_space<vmem>>) dst(%dma_wait3A_289 : memref<128x64xf32, #tpu.memory_space<hbm>>)
      tpu.yield
    }) : () -> ()
    %dma_wait3A_197 = arith.constant 196 : i32
    %dma_wait3A_198 = arith.constant 4 : i32
    %dma_wait3A_199 = arith.constant 4 : i32
    %dma_wait3A_200 = arith.constant 0 : i32
    %dma_wait3A_201 = arith.constant 0 : i32
    %dma_wait3A_202 = tpu.memref_slice %arg6[%dma_wait3A_198, %dma_wait3A_200, %dma_wait3A_201] : memref<8x128x64xf32, #tpu.memory_space<vmem>> -> memref<1x128x64xf32, #tpu.memory_space<vmem>>
    %dma_wait3A_203 = tpu.memref_squeeze %dma_wait3A_202 : memref<1x128x64xf32, #tpu.memory_space<vmem>> -> memref<128x64xf32, #tpu.memory_space<vmem>>
    %dma_wait3A_204 = arith.constant 0 : i32
    %dma_wait3A_205 = tpu.memref_slice %arg5[%dma_wait3A_197, %dma_wait3A_204] : memref<200x128xi32, #tpu.memory_space<vmem>> -> memref<1x128xi32, #tpu.memory_space<vmem>>
    %dma_wait3A_206 = tpu.memref_squeeze %dma_wait3A_205 : memref<1x128xi32, #tpu.memory_space<vmem>> -> memref<128xi32, #tpu.memory_space<vmem>>
    %dma_wait3A_207 = arith.constant 0 : i32
    %dma_wait3A_208 = arith.constant 0 : i32
    %dma_wait3A_209 = tpu.memref_slice %arg3[%dma_wait3A_207, %dma_wait3A_208] : memref<1000000x64xf32, #tpu.memory_space<hbm>> -> memref<1000000x64xf32, #tpu.memory_space<hbm>>
    %dma_wait3A_210 = tpu.memref_slice %arg7[%dma_wait3A_199] : memref<8x!tpu.dma_semaphore, #tpu.memory_space<semaphore_mem>> -> memref<1x!tpu.dma_semaphore, #tpu.memory_space<semaphore_mem>>
    %dma_wait3A_211 = tpu.memref_squeeze %dma_wait3A_210 : memref<1x!tpu.dma_semaphore, #tpu.memory_space<semaphore_mem>> -> memref<!tpu.dma_semaphore, #tpu.memory_space<semaphore_mem>>
    tpu.wait_indirect_dma semaphore(%dma_wait3A_211 : memref<!tpu.dma_semaphore, #tpu.memory_space<semaphore_mem>>) src(%dma_wait3A_209 : memref<1000000x64xf32, #tpu.memory_space<hbm>>) dst(%dma_wait3A_203 : memref<128x64xf32, #tpu.memory_space<vmem>>)
    %add3A_212 = arith.constant 25088 : i32
    %add3A_213 = arith.addi %mul3A_2, %add3A_212 : i32
    %run_scoped3A_214 = arith.constant 4 : i32
    "tpu.region"() ({
      %run_scoped3A_269 = tpu.sem_alloc : memref<!tpu.dma_semaphore, #tpu.memory_space<semaphore_mem>>
      %dma_start3A_270 = arith.constant 0 : i32
      %dma_start3A_271 = arith.constant 0 : i32
      %dma_start3A_272 = tpu.memref_slice %arg6[%run_scoped3A_214, %dma_start3A_270, %dma_start3A_271] : memref<8x128x64xf32, #tpu.memory_space<vmem>> -> memref<1x128x64xf32, #tpu.memory_space<vmem>>
      %dma_start3A_273 = tpu.memref_squeeze %dma_start3A_272 : memref<1x128x64xf32, #tpu.memory_space<vmem>> -> memref<128x64xf32, #tpu.memory_space<vmem>>
      %dma_start3A_274 = arith.constant 0 : i32
      %dma_start3A_275 = tpu.memref_slice %arg4[%add3A_213, %dma_start3A_274] : memref<819200x128xf32, #tpu.memory_space<hbm>> -> memref<128x64xf32, #tpu.memory_space<hbm>>
      %dma_start3A_276 = arith.constant 0 : i32
      %dma_start3A_277 = tpu.memref_slice %arg4[%add3A_213, %dma_start3A_276] : memref<819200x128xf32, #tpu.memory_space<hbm>> -> memref<128x64xf32, #tpu.memory_space<hbm>>
      %dma_start3A_278 = arith.constant 0 : i32
      %dma_start3A_279 = arith.constant 0 : i32
      %dma_start3A_280 = tpu.memref_slice %arg6[%run_scoped3A_214, %dma_start3A_278, %dma_start3A_279] : memref<8x128x64xf32, #tpu.memory_space<vmem>> -> memref<1x128x64xf32, #tpu.memory_space<vmem>>
      %dma_start3A_281 = tpu.memref_squeeze %dma_start3A_280 : memref<1x128x64xf32, #tpu.memory_space<vmem>> -> memref<128x64xf32, #tpu.memory_space<vmem>>
      tpu.enqueue_dma source(%dma_start3A_281 : memref<128x64xf32, #tpu.memory_space<vmem>>) target(%dma_start3A_277 : memref<128x64xf32, #tpu.memory_space<hbm>>) target_semaphore(%run_scoped3A_269 : memref<!tpu.dma_semaphore, #tpu.memory_space<semaphore_mem>>)
      %dma_wait3A_282 = arith.constant 0 : i32
      %dma_wait3A_283 = arith.constant 0 : i32
      %dma_wait3A_284 = tpu.memref_slice %arg6[%run_scoped3A_214, %dma_wait3A_282, %dma_wait3A_283] : memref<8x128x64xf32, #tpu.memory_space<vmem>> -> memref<1x128x64xf32, #tpu.memory_space<vmem>>
      %dma_wait3A_285 = tpu.memref_squeeze %dma_wait3A_284 : memref<1x128x64xf32, #tpu.memory_space<vmem>> -> memref<128x64xf32, #tpu.memory_space<vmem>>
      %dma_wait3A_286 = arith.constant 0 : i32
      %dma_wait3A_287 = tpu.memref_slice %arg4[%add3A_213, %dma_wait3A_286] : memref<819200x128xf32, #tpu.memory_space<hbm>> -> memref<128x64xf32, #tpu.memory_space<hbm>>
      %dma_wait3A_288 = arith.constant 0 : i32
      %dma_wait3A_289 = tpu.memref_slice %arg4[%add3A_213, %dma_wait3A_288] : memref<819200x128xf32, #tpu.memory_space<hbm>> -> memref<128x64xf32, #tpu.memory_space<hbm>>
      %dma_wait3A_290 = arith.constant 0 : i32
      %dma_wait3A_291 = arith.constant 0 : i32
      %dma_wait3A_292 = tpu.memref_slice %arg6[%run_scoped3A_214, %dma_wait3A_290, %dma_wait3A_291] : memref<8x128x64xf32, #tpu.memory_space<vmem>> -> memref<1x128x64xf32, #tpu.memory_space<vmem>>
      %dma_wait3A_293 = tpu.memref_squeeze %dma_wait3A_292 : memref<1x128x64xf32, #tpu.memory_space<vmem>> -> memref<128x64xf32, #tpu.memory_space<vmem>>
      tpu.wait_dma2 semaphore(%run_scoped3A_269 : memref<!tpu.dma_semaphore, #tpu.memory_space<semaphore_mem>>) src(%dma_wait3A_293 : memref<128x64xf32, #tpu.memory_space<vmem>>) dst(%dma_wait3A_289 : memref<128x64xf32, #tpu.memory_space<hbm>>)
      tpu.yield
    }) : () -> ()
    %dma_wait3A_215 = arith.constant 197 : i32
    %dma_wait3A_216 = arith.constant 5 : i32
    %dma_wait3A_217 = arith.constant 5 : i32
    %dma_wait3A_218 = arith.constant 0 : i32
    %dma_wait3A_219 = arith.constant 0 : i32
    %dma_wait3A_220 = tpu.memref_slice %arg6[%dma_wait3A_216, %dma_wait3A_218, %dma_wait3A_219] : memref<8x128x64xf32, #tpu.memory_space<vmem>> -> memref<1x128x64xf32, #tpu.memory_space<vmem>>
    %dma_wait3A_221 = tpu.memref_squeeze %dma_wait3A_220 : memref<1x128x64xf32, #tpu.memory_space<vmem>> -> memref<128x64xf32, #tpu.memory_space<vmem>>
    %dma_wait3A_222 = arith.constant 0 : i32
    %dma_wait3A_223 = tpu.memref_slice %arg5[%dma_wait3A_215, %dma_wait3A_222] : memref<200x128xi32, #tpu.memory_space<vmem>> -> memref<1x128xi32, #tpu.memory_space<vmem>>
    %dma_wait3A_224 = tpu.memref_squeeze %dma_wait3A_223 : memref<1x128xi32, #tpu.memory_space<vmem>> -> memref<128xi32, #tpu.memory_space<vmem>>
    %dma_wait3A_225 = arith.constant 0 : i32
    %dma_wait3A_226 = arith.constant 0 : i32
    %dma_wait3A_227 = tpu.memref_slice %arg3[%dma_wait3A_225, %dma_wait3A_226] : memref<1000000x64xf32, #tpu.memory_space<hbm>> -> memref<1000000x64xf32, #tpu.memory_space<hbm>>
    %dma_wait3A_228 = tpu.memref_slice %arg7[%dma_wait3A_217] : memref<8x!tpu.dma_semaphore, #tpu.memory_space<semaphore_mem>> -> memref<1x!tpu.dma_semaphore, #tpu.memory_space<semaphore_mem>>
    %dma_wait3A_229 = tpu.memref_squeeze %dma_wait3A_228 : memref<1x!tpu.dma_semaphore, #tpu.memory_space<semaphore_mem>> -> memref<!tpu.dma_semaphore, #tpu.memory_space<semaphore_mem>>
    tpu.wait_indirect_dma semaphore(%dma_wait3A_229 : memref<!tpu.dma_semaphore, #tpu.memory_space<semaphore_mem>>) src(%dma_wait3A_227 : memref<1000000x64xf32, #tpu.memory_space<hbm>>) dst(%dma_wait3A_221 : memref<128x64xf32, #tpu.memory_space<vmem>>)
    %add3A_230 = arith.constant 25216 : i32
    %add3A_231 = arith.addi %mul3A_2, %add3A_230 : i32
    %run_scoped3A_232 = arith.constant 5 : i32
    "tpu.region"() ({
      %run_scoped3A_269 = tpu.sem_alloc : memref<!tpu.dma_semaphore, #tpu.memory_space<semaphore_mem>>
      %dma_start3A_270 = arith.constant 0 : i32
      %dma_start3A_271 = arith.constant 0 : i32
      %dma_start3A_272 = tpu.memref_slice %arg6[%run_scoped3A_232, %dma_start3A_270, %dma_start3A_271] : memref<8x128x64xf32, #tpu.memory_space<vmem>> -> memref<1x128x64xf32, #tpu.memory_space<vmem>>
      %dma_start3A_273 = tpu.memref_squeeze %dma_start3A_272 : memref<1x128x64xf32, #tpu.memory_space<vmem>> -> memref<128x64xf32, #tpu.memory_space<vmem>>
      %dma_start3A_274 = arith.constant 0 : i32
      %dma_start3A_275 = tpu.memref_slice %arg4[%add3A_231, %dma_start3A_274] : memref<819200x128xf32, #tpu.memory_space<hbm>> -> memref<128x64xf32, #tpu.memory_space<hbm>>
      %dma_start3A_276 = arith.constant 0 : i32
      %dma_start3A_277 = tpu.memref_slice %arg4[%add3A_231, %dma_start3A_276] : memref<819200x128xf32, #tpu.memory_space<hbm>> -> memref<128x64xf32, #tpu.memory_space<hbm>>
      %dma_start3A_278 = arith.constant 0 : i32
      %dma_start3A_279 = arith.constant 0 : i32
      %dma_start3A_280 = tpu.memref_slice %arg6[%run_scoped3A_232, %dma_start3A_278, %dma_start3A_279] : memref<8x128x64xf32, #tpu.memory_space<vmem>> -> memref<1x128x64xf32, #tpu.memory_space<vmem>>
      %dma_start3A_281 = tpu.memref_squeeze %dma_start3A_280 : memref<1x128x64xf32, #tpu.memory_space<vmem>> -> memref<128x64xf32, #tpu.memory_space<vmem>>
      tpu.enqueue_dma source(%dma_start3A_281 : memref<128x64xf32, #tpu.memory_space<vmem>>) target(%dma_start3A_277 : memref<128x64xf32, #tpu.memory_space<hbm>>) target_semaphore(%run_scoped3A_269 : memref<!tpu.dma_semaphore, #tpu.memory_space<semaphore_mem>>)
      %dma_wait3A_282 = arith.constant 0 : i32
      %dma_wait3A_283 = arith.constant 0 : i32
      %dma_wait3A_284 = tpu.memref_slice %arg6[%run_scoped3A_232, %dma_wait3A_282, %dma_wait3A_283] : memref<8x128x64xf32, #tpu.memory_space<vmem>> -> memref<1x128x64xf32, #tpu.memory_space<vmem>>
      %dma_wait3A_285 = tpu.memref_squeeze %dma_wait3A_284 : memref<1x128x64xf32, #tpu.memory_space<vmem>> -> memref<128x64xf32, #tpu.memory_space<vmem>>
      %dma_wait3A_286 = arith.constant 0 : i32
      %dma_wait3A_287 = tpu.memref_slice %arg4[%add3A_231, %dma_wait3A_286] : memref<819200x128xf32, #tpu.memory_space<hbm>> -> memref<128x64xf32, #tpu.memory_space<hbm>>
      %dma_wait3A_288 = arith.constant 0 : i32
      %dma_wait3A_289 = tpu.memref_slice %arg4[%add3A_231, %dma_wait3A_288] : memref<819200x128xf32, #tpu.memory_space<hbm>> -> memref<128x64xf32, #tpu.memory_space<hbm>>
      %dma_wait3A_290 = arith.constant 0 : i32
      %dma_wait3A_291 = arith.constant 0 : i32
      %dma_wait3A_292 = tpu.memref_slice %arg6[%run_scoped3A_232, %dma_wait3A_290, %dma_wait3A_291] : memref<8x128x64xf32, #tpu.memory_space<vmem>> -> memref<1x128x64xf32, #tpu.memory_space<vmem>>
      %dma_wait3A_293 = tpu.memref_squeeze %dma_wait3A_292 : memref<1x128x64xf32, #tpu.memory_space<vmem>> -> memref<128x64xf32, #tpu.memory_space<vmem>>
      tpu.wait_dma2 semaphore(%run_scoped3A_269 : memref<!tpu.dma_semaphore, #tpu.memory_space<semaphore_mem>>) src(%dma_wait3A_293 : memref<128x64xf32, #tpu.memory_space<vmem>>) dst(%dma_wait3A_289 : memref<128x64xf32, #tpu.memory_space<hbm>>)
      tpu.yield
    }) : () -> ()
    %dma_wait3A_233 = arith.constant 198 : i32
    %dma_wait3A_234 = arith.constant 6 : i32
    %dma_wait3A_235 = arith.constant 6 : i32
    %dma_wait3A_236 = arith.constant 0 : i32
    %dma_wait3A_237 = arith.constant 0 : i32
    %dma_wait3A_238 = tpu.memref_slice %arg6[%dma_wait3A_234, %dma_wait3A_236, %dma_wait3A_237] : memref<8x128x64xf32, #tpu.memory_space<vmem>> -> memref<1x128x64xf32, #tpu.memory_space<vmem>>
    %dma_wait3A_239 = tpu.memref_squeeze %dma_wait3A_238 : memref<1x128x64xf32, #tpu.memory_space<vmem>> -> memref<128x64xf32, #tpu.memory_space<vmem>>
    %dma_wait3A_240 = arith.constant 0 : i32
    %dma_wait3A_241 = tpu.memref_slice %arg5[%dma_wait3A_233, %dma_wait3A_240] : memref<200x128xi32, #tpu.memory_space<vmem>> -> memref<1x128xi32, #tpu.memory_space<vmem>>
    %dma_wait3A_242 = tpu.memref_squeeze %dma_wait3A_241 : memref<1x128xi32, #tpu.memory_space<vmem>> -> memref<128xi32, #tpu.memory_space<vmem>>
    %dma_wait3A_243 = arith.constant 0 : i32
    %dma_wait3A_244 = arith.constant 0 : i32
    %dma_wait3A_245 = tpu.memref_slice %arg3[%dma_wait3A_243, %dma_wait3A_244] : memref<1000000x64xf32, #tpu.memory_space<hbm>> -> memref<1000000x64xf32, #tpu.memory_space<hbm>>
    %dma_wait3A_246 = tpu.memref_slice %arg7[%dma_wait3A_235] : memref<8x!tpu.dma_semaphore, #tpu.memory_space<semaphore_mem>> -> memref<1x!tpu.dma_semaphore, #tpu.memory_space<semaphore_mem>>
    %dma_wait3A_247 = tpu.memref_squeeze %dma_wait3A_246 : memref<1x!tpu.dma_semaphore, #tpu.memory_space<semaphore_mem>> -> memref<!tpu.dma_semaphore, #tpu.memory_space<semaphore_mem>>
    tpu.wait_indirect_dma semaphore(%dma_wait3A_247 : memref<!tpu.dma_semaphore, #tpu.memory_space<semaphore_mem>>) src(%dma_wait3A_245 : memref<1000000x64xf32, #tpu.memory_space<hbm>>) dst(%dma_wait3A_239 : memref<128x64xf32, #tpu.memory_space<vmem>>)
    %add3A_248 = arith.constant 25344 : i32
    %add3A_249 = arith.addi %mul3A_2, %add3A_248 : i32
    %run_scoped3A_250 = arith.constant 6 : i32
    "tpu.region"() ({
      %run_scoped3A_269 = tpu.sem_alloc : memref<!tpu.dma_semaphore, #tpu.memory_space<semaphore_mem>>
      %dma_start3A_270 = arith.constant 0 : i32
      %dma_start3A_271 = arith.constant 0 : i32
      %dma_start3A_272 = tpu.memref_slice %arg6[%run_scoped3A_250, %dma_start3A_270, %dma_start3A_271] : memref<8x128x64xf32, #tpu.memory_space<vmem>> -> memref<1x128x64xf32, #tpu.memory_space<vmem>>
      %dma_start3A_273 = tpu.memref_squeeze %dma_start3A_272 : memref<1x128x64xf32, #tpu.memory_space<vmem>> -> memref<128x64xf32, #tpu.memory_space<vmem>>
      %dma_start3A_274 = arith.constant 0 : i32
      %dma_start3A_275 = tpu.memref_slice %arg4[%add3A_249, %dma_start3A_274] : memref<819200x128xf32, #tpu.memory_space<hbm>> -> memref<128x64xf32, #tpu.memory_space<hbm>>
      %dma_start3A_276 = arith.constant 0 : i32
      %dma_start3A_277 = tpu.memref_slice %arg4[%add3A_249, %dma_start3A_276] : memref<819200x128xf32, #tpu.memory_space<hbm>> -> memref<128x64xf32, #tpu.memory_space<hbm>>
      %dma_start3A_278 = arith.constant 0 : i32
      %dma_start3A_279 = arith.constant 0 : i32
      %dma_start3A_280 = tpu.memref_slice %arg6[%run_scoped3A_250, %dma_start3A_278, %dma_start3A_279] : memref<8x128x64xf32, #tpu.memory_space<vmem>> -> memref<1x128x64xf32, #tpu.memory_space<vmem>>
      %dma_start3A_281 = tpu.memref_squeeze %dma_start3A_280 : memref<1x128x64xf32, #tpu.memory_space<vmem>> -> memref<128x64xf32, #tpu.memory_space<vmem>>
      tpu.enqueue_dma source(%dma_start3A_281 : memref<128x64xf32, #tpu.memory_space<vmem>>) target(%dma_start3A_277 : memref<128x64xf32, #tpu.memory_space<hbm>>) target_semaphore(%run_scoped3A_269 : memref<!tpu.dma_semaphore, #tpu.memory_space<semaphore_mem>>)
      %dma_wait3A_282 = arith.constant 0 : i32
      %dma_wait3A_283 = arith.constant 0 : i32
      %dma_wait3A_284 = tpu.memref_slice %arg6[%run_scoped3A_250, %dma_wait3A_282, %dma_wait3A_283] : memref<8x128x64xf32, #tpu.memory_space<vmem>> -> memref<1x128x64xf32, #tpu.memory_space<vmem>>
      %dma_wait3A_285 = tpu.memref_squeeze %dma_wait3A_284 : memref<1x128x64xf32, #tpu.memory_space<vmem>> -> memref<128x64xf32, #tpu.memory_space<vmem>>
      %dma_wait3A_286 = arith.constant 0 : i32
      %dma_wait3A_287 = tpu.memref_slice %arg4[%add3A_249, %dma_wait3A_286] : memref<819200x128xf32, #tpu.memory_space<hbm>> -> memref<128x64xf32, #tpu.memory_space<hbm>>
      %dma_wait3A_288 = arith.constant 0 : i32
      %dma_wait3A_289 = tpu.memref_slice %arg4[%add3A_249, %dma_wait3A_288] : memref<819200x128xf32, #tpu.memory_space<hbm>> -> memref<128x64xf32, #tpu.memory_space<hbm>>
      %dma_wait3A_290 = arith.constant 0 : i32
      %dma_wait3A_291 = arith.constant 0 : i32
      %dma_wait3A_292 = tpu.memref_slice %arg6[%run_scoped3A_250, %dma_wait3A_290, %dma_wait3A_291] : memref<8x128x64xf32, #tpu.memory_space<vmem>> -> memref<1x128x64xf32, #tpu.memory_space<vmem>>
      %dma_wait3A_293 = tpu.memref_squeeze %dma_wait3A_292 : memref<1x128x64xf32, #tpu.memory_space<vmem>> -> memref<128x64xf32, #tpu.memory_space<vmem>>
      tpu.wait_dma2 semaphore(%run_scoped3A_269 : memref<!tpu.dma_semaphore, #tpu.memory_space<semaphore_mem>>) src(%dma_wait3A_293 : memref<128x64xf32, #tpu.memory_space<vmem>>) dst(%dma_wait3A_289 : memref<128x64xf32, #tpu.memory_space<hbm>>)
      tpu.yield
    }) : () -> ()
    %dma_wait3A_251 = arith.constant 199 : i32
    %dma_wait3A_252 = arith.constant 7 : i32
    %dma_wait3A_253 = arith.constant 7 : i32
    %dma_wait3A_254 = arith.constant 0 : i32
    %dma_wait3A_255 = arith.constant 0 : i32
    %dma_wait3A_256 = tpu.memref_slice %arg6[%dma_wait3A_252, %dma_wait3A_254, %dma_wait3A_255] : memref<8x128x64xf32, #tpu.memory_space<vmem>> -> memref<1x128x64xf32, #tpu.memory_space<vmem>>
    %dma_wait3A_257 = tpu.memref_squeeze %dma_wait3A_256 : memref<1x128x64xf32, #tpu.memory_space<vmem>> -> memref<128x64xf32, #tpu.memory_space<vmem>>
    %dma_wait3A_258 = arith.constant 0 : i32
    %dma_wait3A_259 = tpu.memref_slice %arg5[%dma_wait3A_251, %dma_wait3A_258] : memref<200x128xi32, #tpu.memory_space<vmem>> -> memref<1x128xi32, #tpu.memory_space<vmem>>
    %dma_wait3A_260 = tpu.memref_squeeze %dma_wait3A_259 : memref<1x128xi32, #tpu.memory_space<vmem>> -> memref<128xi32, #tpu.memory_space<vmem>>
    %dma_wait3A_261 = arith.constant 0 : i32
    %dma_wait3A_262 = arith.constant 0 : i32
    %dma_wait3A_263 = tpu.memref_slice %arg3[%dma_wait3A_261, %dma_wait3A_262] : memref<1000000x64xf32, #tpu.memory_space<hbm>> -> memref<1000000x64xf32, #tpu.memory_space<hbm>>
    %dma_wait3A_264 = tpu.memref_slice %arg7[%dma_wait3A_253] : memref<8x!tpu.dma_semaphore, #tpu.memory_space<semaphore_mem>> -> memref<1x!tpu.dma_semaphore, #tpu.memory_space<semaphore_mem>>
    %dma_wait3A_265 = tpu.memref_squeeze %dma_wait3A_264 : memref<1x!tpu.dma_semaphore, #tpu.memory_space<semaphore_mem>> -> memref<!tpu.dma_semaphore, #tpu.memory_space<semaphore_mem>>
    tpu.wait_indirect_dma semaphore(%dma_wait3A_265 : memref<!tpu.dma_semaphore, #tpu.memory_space<semaphore_mem>>) src(%dma_wait3A_263 : memref<1000000x64xf32, #tpu.memory_space<hbm>>) dst(%dma_wait3A_257 : memref<128x64xf32, #tpu.memory_space<vmem>>)
    %add3A_266 = arith.constant 25472 : i32
    %add3A_267 = arith.addi %mul3A_2, %add3A_266 : i32
    %run_scoped3A_268 = arith.constant 7 : i32
    "tpu.region"() ({
      %run_scoped3A_269 = tpu.sem_alloc : memref<!tpu.dma_semaphore, #tpu.memory_space<semaphore_mem>>
      %dma_start3A_270 = arith.constant 0 : i32
      %dma_start3A_271 = arith.constant 0 : i32
      %dma_start3A_272 = tpu.memref_slice %arg6[%run_scoped3A_268, %dma_start3A_270, %dma_start3A_271] : memref<8x128x64xf32, #tpu.memory_space<vmem>> -> memref<1x128x64xf32, #tpu.memory_space<vmem>>
      %dma_start3A_273 = tpu.memref_squeeze %dma_start3A_272 : memref<1x128x64xf32, #tpu.memory_space<vmem>> -> memref<128x64xf32, #tpu.memory_space<vmem>>
      %dma_start3A_274 = arith.constant 0 : i32
      %dma_start3A_275 = tpu.memref_slice %arg4[%add3A_267, %dma_start3A_274] : memref<819200x128xf32, #tpu.memory_space<hbm>> -> memref<128x64xf32, #tpu.memory_space<hbm>>
      %dma_start3A_276 = arith.constant 0 : i32
      %dma_start3A_277 = tpu.memref_slice %arg4[%add3A_267, %dma_start3A_276] : memref<819200x128xf32, #tpu.memory_space<hbm>> -> memref<128x64xf32, #tpu.memory_space<hbm>>
      %dma_start3A_278 = arith.constant 0 : i32
      %dma_start3A_279 = arith.constant 0 : i32
      %dma_start3A_280 = tpu.memref_slice %arg6[%run_scoped3A_268, %dma_start3A_278, %dma_start3A_279] : memref<8x128x64xf32, #tpu.memory_space<vmem>> -> memref<1x128x64xf32, #tpu.memory_space<vmem>>
      %dma_start3A_281 = tpu.memref_squeeze %dma_start3A_280 : memref<1x128x64xf32, #tpu.memory_space<vmem>> -> memref<128x64xf32, #tpu.memory_space<vmem>>
      tpu.enqueue_dma source(%dma_start3A_281 : memref<128x64xf32, #tpu.memory_space<vmem>>) target(%dma_start3A_277 : memref<128x64xf32, #tpu.memory_space<hbm>>) target_semaphore(%run_scoped3A_269 : memref<!tpu.dma_semaphore, #tpu.memory_space<semaphore_mem>>)
      %dma_wait3A_282 = arith.constant 0 : i32
      %dma_wait3A_283 = arith.constant 0 : i32
      %dma_wait3A_284 = tpu.memref_slice %arg6[%run_scoped3A_268, %dma_wait3A_282, %dma_wait3A_283] : memref<8x128x64xf32, #tpu.memory_space<vmem>> -> memref<1x128x64xf32, #tpu.memory_space<vmem>>
      %dma_wait3A_285 = tpu.memref_squeeze %dma_wait3A_284 : memref<1x128x64xf32, #tpu.memory_space<vmem>> -> memref<128x64xf32, #tpu.memory_space<vmem>>
      %dma_wait3A_286 = arith.constant 0 : i32
      %dma_wait3A_287 = tpu.memref_slice %arg4[%add3A_267, %dma_wait3A_286] : memref<819200x128xf32, #tpu.memory_space<hbm>> -> memref<128x64xf32, #tpu.memory_space<hbm>>
      %dma_wait3A_288 = arith.constant 0 : i32
      %dma_wait3A_289 = tpu.memref_slice %arg4[%add3A_267, %dma_wait3A_288] : memref<819200x128xf32, #tpu.memory_space<hbm>> -> memref<128x64xf32, #tpu.memory_space<hbm>>
      %dma_wait3A_290 = arith.constant 0 : i32
      %dma_wait3A_291 = arith.constant 0 : i32
      %dma_wait3A_292 = tpu.memref_slice %arg6[%run_scoped3A_268, %dma_wait3A_290, %dma_wait3A_291] : memref<8x128x64xf32, #tpu.memory_space<vmem>> -> memref<1x128x64xf32, #tpu.memory_space<vmem>>
      %dma_wait3A_293 = tpu.memref_squeeze %dma_wait3A_292 : memref<1x128x64xf32, #tpu.memory_space<vmem>> -> memref<128x64xf32, #tpu.memory_space<vmem>>
      tpu.wait_dma2 semaphore(%run_scoped3A_269 : memref<!tpu.dma_semaphore, #tpu.memory_space<semaphore_mem>>) src(%dma_wait3A_293 : memref<128x64xf32, #tpu.memory_space<vmem>>) dst(%dma_wait3A_289 : memref<128x64xf32, #tpu.memory_space<hbm>>)
      tpu.yield
    }) : () -> ()
    return
  }
}

</mosaic_0001>

<sc_bundles>
// kernel: kernel.3.cloned.1.call-start
scs
__scs_entry_jumppad:
0x0: {  	(pc) =	sbr.rel $0x88, $3  }
0x1: {  	(tag) =	ssettag $0x0;
	lr =	simm.s32 $0x1  }
0x2: {  	[smem:$0x3F9E] =	sst lr;
	_ =	strace $0xD0000000  }
0x3: {  	_ = 	snop  }
0x4: {  	_ = 	snop  }
0x5: {  	_ = 	snop  }
0x6: {  	_ = 	snop  }
0x7: {  	_ = 	snop  }
__scs_overlays_trampoline_lowered:
0x8: {  	[smem:$0x3FAD] =	sst s0  }
0x9: {  	[smem:$0x3FAE] =	sst s1  }
0xa: {  	[smem:$0x3FAF] =	sst s2  }
0xb: {  	[smem:$0x3FB0] =	sst s3  }
0xc: {  	[smem:$0x3FB1] =	sst s4  }
0xd: {  	[smem:$0x3FB2] =	sst s5  }
0xe: {  	[smem:$0x3FB3] =	sst s6  }
0xf: {  	[smem:$0x3FB4] =	sst s7  }
0x10: {  	[smem:$0x3FB5] =	sst s8  }
0x11: {  	[smem:$0x3FB6] =	sst s9;
	s0 =	simm.s32 @!p0 $0x0  }
0x12: {  	s1 =	sld [smem:$0x3F9C];
	s0 =	simm.s32 @p0 $0x1  }
0x13: {  	[smem:$0x3FB7] =	sst s0;
	s0 =	simm.s32 @!p1 $0x0  }
0x14: {  	s2 =	sld [smem:$0x3F9B];
	s0 =	simm.s32 @p1 $0x1  }
0x15: {  	[smem:$0x3FB8] =	sst s0;
	s0 =	simm.s32 @!p2 $0x0  }
0x16: {  	s3 =	sld [smem:$0x3FDB];
	s0 =	simm.s32 @p2 $0x1  }
0x17: {  	s4 =	simm.s32 $0x1BF5;
	[smem:$0x3FBA] =	sst s0  }
0x18: {  	s0 =	sld [smem:$0x3F9D];
	_ =	swait.ge [sflag:s4], $0x0  }
0x19: {  	s7 =	sld [smem:$0x3F9E]  }
0x1a: {  	s8 =	sadd.s32 $0xFFFFE003, lr  }
0x1b: {  	s9 =	sadd.s32 $0xFFFFFEF7, lr;
	s5 =	simm.s32 $0xFFFFFFFF;
	p2 =	slt.u32 s8, $0xFFFFF086  }
0x1c: {  	p1 =	slt.u32 s9, $0xF7A;
	s5 =	simm.s32 @!p2 $0x0  }
0x1d: {  	s5 =	simm.s32 @p1 $0x1;
	p0 =	seq.s32 s7, s2  }
0x1e: {  	s7 =	smul.u32 @!p0 $0xF7A, s2;
	p2 =	seq.s32 @!p0 s5, $0x0  }
0x1f: {  	s9 =	smul.u32 $0xF7A, s1;
	s8 =	simm.s32 @!p0 $0x1BF5;
	p2 =	por !p2, p0  }
0x20: {  	[sflag:s8] =	ssyncset.s32 @!p0 $0xFFFFF086;
	s6 =	sadd.s32 @!p0 s3, s7;
	s7 =	simm.s32 @!p0 $0x108  }
0x21: {  	s3 =	sadd.s32 s3, s9;
	s6 =	sadd.s32 @!p0 $0x88, s6;
	s7 =	simm.s32 @p2 $0x1082  }
0x22: {  	[simem:s7], [sflag:s8] =	dma.local @!p0 [hbm:s6], $0xF7A  }
0x23: {  	s9 =	sor.u32 $0xD0000000, s2;
	s6 =	simm.s32 $0x108;
	_ =	swait.ge @!p0 [sflag:s8], $0x0  }
0x24: {  	s3 =	sadd.s32 $0x88, s3;
	s6 =	simm.s32 @!p1 $0x1082;
	[sflag:s4] =	ssyncset.s32 $0xFFFFF086  }
0x25: {  	[simem:s6], [sflag:s4] =	dma.local [hbm:s3], $0xF7A  }
0x26: {  	[smem:$0x3F9E] =	sst s1;
	(tag) =	ssettag s2;
	_ =	strace s9  }
0x27: {  	s1 =	sld [smem:$0x3FAE]  }
0x28: {  	s2 =	sld [smem:$0x3FAF]  }
0x29: {  	s4 =	sld [smem:$0x3FB1]  }
0x2a: {  	p0 =	seq.s32 s5, $0x0;
	s5 =	sld [smem:$0x3FB2]  }
0x2b: {  	s6 =	sld [smem:$0x3FB3]  }
0x2c: {  	s7 =	sld [smem:$0x3FB4]  }
0x2d: {  	s3 =	simm.s32 $0x108;
	s8 =	sld [smem:$0x3FB5]  }
0x2e: {  	s3 =	simm.s32 @!p0 $0x1082;
	s9 =	sld [smem:$0x3FB6]  }
0x2f: {  	lr =	sadd.s32 s0, s3;
	s0 =	sld [smem:$0x3FAD]  }
0x30: {  	s3 =	sld [smem:$0x3FB0]  }
0x31: {  	[smem:$0x3FB9] =	sst s10  }
0x32: {  	s10 =	sld [smem:$0x3FB7];
	_ =	sdelay $0x3  }
0x33: {  	p0 =	seq.s32 s10, $0x1;
	s10 =	sld [smem:$0x3FB9];
	_ =	sdelay $0x3  }
0x34: {  	[smem:$0x3FB9] =	sst s10  }
0x35: {  	s10 =	sld [smem:$0x3FB8];
	_ =	sdelay $0x3  }
0x36: {  	p1 =	seq.s32 s10, $0x1;
	s10 =	sld [smem:$0x3FB9];
	_ =	sdelay $0x3  }
0x37: {  	[smem:$0x3FB9] =	sst s10  }
0x38: {  	s10 =	sld [smem:$0x3FBA]  }
0x39: {  	_ = 	snop;
	(pc) =	sbr.ind lr, $3  }
0x3a: {  	_ = 	snop  }
0x3b: {  	_ = 	snop  }
0x3c: {  	p2 =	seq.s32 s10, $0x1;
	s10 =	sld [smem:$0x3FB9]  }
0x3d: {  	_ =	shalt  }
0x3e: {  	_ =	shalt  }
0x3f: {  	_ =	shalt  }
0x40: {  	_ =	shalt  }
0x41: {  	_ =	shalt  }
0x42: {  	_ =	shalt  }
0x43: {  	_ =	shalt  }
0x44: {  	_ =	shalt  }
0x45: {  	_ =	shalt  }
0x46: {  	_ =	shalt  }
0x47: {  	_ =	shalt  }
0x48: {  	_ =	shalt  }
0x49: {  	_ =	shalt  }
0x4a: {  	_ =	shalt  }
0x4b: {  	_ =	shalt  }
0x4c: {  	_ =	shalt  }
0x4d: {  	_ =	shalt  }
0x4e: {  	_ =	shalt  }
0x4f: {  	_ =	shalt  }
0x50: {  	_ =	shalt  }
0x51: {  	_ =	shalt  }
0x52: {  	_ =	shalt  }
0x53: {  	_ =	shalt  }
0x54: {  	_ =	shalt  }
0x55: {  	_ =	shalt  }
0x56: {  	_ =	shalt  }
0x57: {  	_ =	shalt  }
0x58: {  	_ =	shalt  }
0x59: {  	_ =	shalt  }
0x5a: {  	_ =	shalt  }
0x5b: {  	_ =	shalt  }
0x5c: {  	_ =	shalt  }
0x5d: {  	_ =	shalt  }
0x5e: {  	_ =	shalt  }
0x5f: {  	_ =	shalt  }
0x60: {  	_ =	shalt  }
0x61: {  	_ =	shalt  }
0x62: {  	_ =	shalt  }
0x63: {  	_ =	shalt  }
0x64: {  	_ =	shalt  }
0x65: {  	_ =	shalt  }
0x66: {  	_ =	shalt  }
0x67: {  	_ =	shalt  }
0x68: {  	_ =	shalt  }
0x69: {  	_ =	shalt  }
0x6a: {  	_ =	shalt  }
0x6b: {  	_ =	shalt  }
0x6c: {  	_ =	shalt  }
0x6d: {  	_ =	shalt  }
0x6e: {  	_ =	shalt  }
0x6f: {  	_ =	shalt  }
0x70: {  	_ =	shalt  }
0x71: {  	_ =	shalt  }
0x72: {  	_ =	shalt  }
0x73: {  	_ =	shalt  }
0x74: {  	_ =	shalt  }
0x75: {  	_ =	shalt  }
0x76: {  	_ =	shalt  }
0x77: {  	_ =	shalt  }
0x78: {  	_ =	shalt  }
0x79: {  	_ =	shalt  }
0x7a: {  	_ =	shalt  }
0x7b: {  	_ =	shalt  }
0x7c: {  	_ =	shalt  }
0x7d: {  	_ =	shalt  }
0x7e: {  	_ =	shalt  }
0x7f: {  	_ =	shalt  }
0x80: {  	_ =	shalt  }
0x81: {  	_ =	shalt  }
0x82: {  	_ =	shalt  }
0x83: {  	_ =	shalt  }
0x84: {  	_ =	shalt  }
0x85: {  	_ =	shalt  }
0x86: {  	_ =	shalt  }
0x87: {  	_ =	shalt  }
.Lfunc_end0:
.L_simem_size_0:
called_computation.1_lowered:
.L_overlay_start_0:
0x88: {  	s2 =	sld [smem:$0x3FD9]  }
0x89: {  	s3 =	sld [smem:$0x3FFE];
	_ =	sdelay $0x1  }
0x8a: {  	s1 =	srdreg.scid  }
0x8b: {  	s0 =	sand.u32 $0x1, s1  }
0x8c: {  	s14 =	sshll.u32 s0, $0xA;
	s2 =	sadd.s32 s3, s2  }
0x8d: {  	s2 =	sadd.s32 s2, s14  }
0x8e: {  	[smem:$0x3FC5] =	sst s2  }
0x8f: {  	_ = 	snop  }
0x90: {  	s2 =	sld [smem:$0x3FD0];
	_ =	sdelay $0x2  }
0x91: {  	s15 =	simm.s32 $0xA;
	s4 =	simm.s32 $0x10  }
0x92: {  	[smem:s4], [sflag:s15] =	dma.local [hbm:s2], $0x1  }
0x93: {  	_ =	swait.eq [sflag:s15], $0x1  }
0x94: {  	[sflag:s15] =	ssyncset.done $0x0  }
0x95: {  	[sflag:s15] =	ssyncadd.s32 $0xFFFFFFFF  }
0x96: {  	s16 =	sld [smem:$0x11];
	(tm) =	ssettm $0x1  }
0x97: {  	s17 =	sld [smem:$0x3FFB];
	_ =	sdelay $0x3  }
0x98: {  	_ =	strace s17  }
0x99: {  	s3 =	sld [smem:$0x3FFC];
	_ =	sdelay $0x3  }
0x9a: {  	_ =	strace s3  }
0x9b: {  	s3 =	sld [smem:$0x3FFD];
	_ =	sdelay $0x3  }
0x9c: {  	_ =	strace s3  }
0x9d: {  	_ =	strace $0x8FFFFFFF  }
0x9e: {  	s18 =	sld [smem:$0x3FDB];
	_ =	sdelay $0x1  }
0x9f: {  	s19 =	simm.s32 $_scs_section_size  }
0xa0: {  	s5 =	simm.s32 $_size__tile_overlayer_lowered;
	s6 =	simm.s32 $_tile_overlayer_lowered  }
0xa1: {  	s22 =	simm.s32 $0x1BFF;
	s21 =	sshll.u32 s6, $0x1;
	s3 =	sadd.s32 s19, s18  }
0xa2: {  	s7 =	simm.s32 $0x0;
	s20 =	sshll.u32 s5, $0x1;
	s5 =	sadd.s32 s21, s3  }
0xa3: {  	[timem:s7], [sflag:s22] =	dma.local [hbm:s5], s20  }
0xa4: {  	_ =	swait.ge [sflag:s22], s20  }
0xa5: {  	s4 =	ssub.s32 $0x0, s20;
	[sflag:s22] =	ssyncset.done $0x0  }
0xa6: {  	[sflag:s22] =	ssyncadd.s32 s4;
	_ =	sdelay $0x1  }
0xa7: {  	s23 =	simm.s32 $0x1B8B  }
0xa8: {  	_ =	swait.ge [sflag:s23], $0x1  }
0xa9: {  	[sflag:s23] =	ssyncset.done $0x0  }
0xaa: {  	s25 =	simm.s32 $0x1B8E;
	s24 =	sld [smem:$0x3FFE];
	[sflag:s23] =	ssyncadd.s32 $0xFFFFFFFF  }
0xab: {  	s26 =	simm.s32 $execute0_lowered;
	[smem:$0x3FD2] =	sst s25  }
0xac: {  	s5 =	sshll.u32 s26, $0x1;
	_ =	strace $0x80000046;
	[dreg:$0x1] =	wrdreg $0xFFFFFFFF  }
0xad: {  	s28 =	simm.s32 $_size_execute0_lowered;
	s3 =	sadd.s32 s3, s5;
	[dreg:$0x0] =	wrdreg $0x0  }
0xae: {  	s5 =	sshll.u32 s28, $0x1;
	[dreg:$0x2] =	wrdreg s3  }
0xaf: {  	[dreg:$0x3] =	wrdreg s5  }
0xb0: {  	[dreg:$0x4] =	wrdreg $0xC0  }
0xb1: {  	_ =	task [dreg:s7], $0x5FFFF  }
0xb2: {  	[dreg:$0x1] =	wrdreg $0xFFFFFFFF  }
0xb3: {  	[dreg:$0x0] =	wrdreg $0x60  }
0xb4: {  	[dreg:$0x2] =	wrdreg s16  }
0xb5: {  	[dreg:$0x3] =	wrdreg s24  }
0xb6: {  	[dreg:$0x4] =	wrdreg $0x9  }
0xb7: {  	_ =	task.clear_ibuf [dreg:s7], $0x5FFFF;
	_ =	strace $0x90000046  }
0xb8: {  	s29 =	simm.s32 $0x9;
	_ =	strace $0x80000048  }
0xb9: {  	_ =	swait.ge [sflag:s29], $0x1  }
0xba: {  	[sflag:s29] =	ssyncadd.s32 $0xFFFFFFFF  }
0xbb: {  	_ =	strace $0x90000048  }
0xbc: {  	_ =	sfence  }
0xbd: {  	s30 =	sld [smem:$0x0];
	_ =	sdelay $0x2  }
0xbe: {  	s31 =	sshll.u32 s1, $0xD;
	s1 =	sshrl.u32 s1, $0x2  }
0xbf: {  	s3 =	sand.u32 $0x4000, s31;
	s1 =	sadd.s32 s1, s30  }
0xc0: {  	s0 =	sor.u32 s3, s0;
	s1 =	sshll.u32 s1, $0x11  }
0xc1: {  	s0 =	sor.u32 s1, s0  }
0xc2: {  	s0 =	sadd.s32 $0x8F2B, s0  }
0xc3: {  	[sflag:s0] =	ssyncadd.remote.s32 $0x1  }
0xc4: {  	_ =	sfence.sel $0xFFFF  }
0xc5: {  	[dreg:$0x0] =	wrdreg $0xFFFFFFFF;
	(pc) =	sbr.abs _section_cstart, $3  }
0xc6: {  	[dreg:$0x1] =	wrdreg $0xFFFFFFFF  }
0xc7: {  	_ =	task.clear_ibuf [dreg:s7], $0x2FFFF;
	_ =	strace $0x9FFFFFFF  }
0xc8: {  	(tm) =	ssettm $0x7FFFFFFF  }
0xc9: {  	_ =	shalt  }
tec
execute0_lowered:
.L_overlay_start_1:
0x0: {  	(tag) =	ssettag $0x1  }
0x1: {  	s0 =	rddreg [dreg:$0x0]  }
0x2: {  	s1 =	rddreg [dreg:$0x1]  }
0x3: {  	s3 =	srdreg.scid;
	s9 =	stileid.u32  }
0x4: {  	s2 =	simm.s32 $0x0;
	s15 =	simm.s32 $0x9;
	s29 =	simm.s32 $0x12400  }
0x5: {  	s31 =	simm.s32 $0x14400;
	s28 =	simm.s32 $0x6;
	s30 =	simm.s32 $0x7  }
0x6: {  	s4 =	sand.u32 $0x1, s3;
	s16 =	sshll.u32 s9, $0x1;
	s18 =	smul.u32 $0x640000, s9  }
0x7: {  	s5 =	sor.u32 s4, s16;
	s6 =	ssub.s32 $0x2, s4;
	s4 =	smul.u32 $0x320000, s4  }
0x8: {  	[smem:$0x7FF] =	sst s2;
	s3 =	sadd.s32 $0xF43000, s1;
	s7 =	smul.u32 $0x320000, s5  }
0x9: {  	s1 =	sadd.s32 $0xC00, s1;
	s8 =	sshrl.u32 s6, $0x1;
	s5 =	smul.u32 $0xC80, s5  }
0xa: {  	_ =	strace $0x80000047;
	s16 =	simm.s32 $0x80;
	s6 =	ssub.s32 s6, s8  }
0xb: {  	s4 =	sadd.s32 s4, s18;
	s7 =	sshrl.u32 s7, $0x3;
	s0 =	sadd.s32 s0, s5  }
0xc: {  	s25 =	smax.u32 s6, $0x1;
	[dreg:$0x3] =	wrdreg s0;
	s17 =	sadd.s32 s1, s7  }
0xd: {  	s8 =	simm.s32 $0x8400;
	[dreg:$0xc] =	wrdreg s25;
	s7 =	sadd.s32 $0x60000, s17  }
0xe: {  	s26 =	sshrl.u32 s4, $0x3;
	s19 =	sadd.s32 $0x60800, s17;
	[dreg:$0x4] =	wrdreg s7  }
0xf: {  	s4 =	simm.s32 $0x8;
	s20 =	sadd.s32 $0x61000, s17;
	[dreg:$0x5] =	wrdreg s19  }
0x10: {  	s5 =	simm.s32 $0x0;
	s21 =	sadd.s32 $0x61800, s17;
	[dreg:$0x6] =	wrdreg s20  }
0x11: {  	s14 =	sadd.s32 s26, s1;
	s22 =	sadd.s32 $0x62000, s17;
	[dreg:$0x7] =	wrdreg s21  }
0x12: {  	s26 =	simm.s32 $0x10400;
	s23 =	sadd.s32 $0x62800, s17;
	[dreg:$0x8] =	wrdreg s22  }
0x13: {  	s1 =	simm.s32 $0x1;
	s24 =	sadd.s32 $0x63000, s17;
	[dreg:$0x9] =	wrdreg s23  }
0x14: {  	s25 =	simm.s32 $0x5;
	s0 =	sadd.s32 $0x63800, s17;
	[dreg:$0xa] =	wrdreg s24  }
0x15: {  	[dreg:$0xb] =	wrdreg s0;
	s7 =	simm.s32 $0x6400;
	s20 =	simm.s32 $0xA400  }
0x16: {  	s22 =	simm.s32 $0xC400;
	s24 =	simm.s32 $0xE400;
	s0 =	simm.s32 $0x40  }
0x17: {  	s19 =	simm.s32 $0x2;
	s21 =	simm.s32 $0x3;
	s23 =	simm.s32 $0x4  }
.LBB2_1:
0x18: {  	s6 =	rddreg [dreg:$0x3]  }
0x19: {  	[tilespmem:s2], [sflag:$0x9] =	stream.linear.gather [hbm4b:s6+s2], $0x6400, $0x38;
	[tilespmem:$0x16400] =	vst v63  }
0x1a: {  	_ =	swait.ge [sflag:s15], $0x6400  }
0x1b: {  	[sflag:s15] =	ssyncset.done $0x0  }
0x1c: {  	[sflag:s15] =	ssyncadd.s32 $0xFFFF9C00  }
0x1d: {  	[tilespmem:s7], [sflag:$0x1] =	stream.indirect.gather [hbm4b:s3+s16], $0x40, s2, s16, $0xb8;
	[tilespmem:$0x16400] =	vst v63  }
0x1e: {  	_ = 	snop  }
0x1f: {  	[tilespmem:s8], [sflag:$0x2] =	stream.indirect.gather [hbm4b:s3+s16], $0x40, s16, s16, $0xb8;
	[tilespmem:$0x16400] =	vst v63  }
0x20: {  	s8 =	simm.s32 $0x100  }
0x21: {  	[tilespmem:s20], [sflag:$0x3] =	stream.indirect.gather [hbm4b:s3+s16], $0x40, s8, s16, $0xb8;
	[tilespmem:$0x16400] =	vst v63  }
0x22: {  	s9 =	simm.s32 $0x180  }
0x23: {  	[tilespmem:s22], [sflag:$0x4] =	stream.indirect.gather [hbm4b:s3+s16], $0x40, s9, s16, $0xb8;
	[tilespmem:$0x16400] =	vst v63  }
0x24: {  	s10 =	simm.s32 $0x200  }
0x25: {  	[tilespmem:s24], [sflag:$0x5] =	stream.indirect.gather [hbm4b:s3+s16], $0x40, s10, s16, $0xb8;
	[tilespmem:$0x16400] =	vst v63  }
0x26: {  	s11 =	simm.s32 $0x280  }
0x27: {  	[tilespmem:s26], [sflag:$0x6] =	stream.indirect.gather [hbm4b:s3+s16], $0x40, s11, s16, $0xb8;
	[tilespmem:$0x16400] =	vst v63  }
0x28: {  	s12 =	simm.s32 $0x300;
	s17 =	sand.u32 $0x7, s2  }
0x29: {  	[tilespmem:s29], [sflag:$0x7] =	stream.indirect.gather [hbm4b:s3+s16], $0x40, s12, s16, $0xb8;
	[tilespmem:$0x16400] =	vst v63  }
0x2a: {  	s13 =	simm.s32 $0x380;
	s7 =	sadd.s32 $0x1, s17  }
0x2b: {  	[tilespmem:s31], [sflag:$0x8] =	stream.indirect.gather [hbm4b:s3+s16], $0x40, s13, s16, $0xb8;
	[tilespmem:$0x16400] =	vst v63  }
0x2c: {  	_ =	swait.ge [sflag:s7], $0x2000  }
0x2d: {  	s18 =	simm.s32 $0x1;
	s6 =	sshll.u32 s17, $0xD;
	[sflag:s7] =	ssyncset.done $0x0  }
0x2e: {  	s8 =	sadd.s32 $0x800, s14;
	s10 =	sadd.s32 $0x6400, s6;
	[sflag:s7] =	ssyncadd.s32 $0xFFFFE000  }
0x2f: {  	[hbm4b:s14+s0] =	stream.strided.scatter [tilespmem:s10], [sflag:$0x9], $0x2000, s16, s0, $0x38;
	[tilespmem:$0x16400] =	vst v63  }
0x30: {  	s9 =	simm.s32 $0x400;
	s6 =	simm.s32 $0x480;
	_ =	swait.ge [sflag:s15], $0x2000  }
0x31: {  	s11 =	sand.u32 $0x7, s18;
	s12 =	simm.s32 $0x2;
	[sflag:s15] =	ssyncset.done $0x0  }
.LBB2_2:
0x32: {  	s13 =	sadd.s32 $0x1, s11  }
0x33: {  	[sflag:s15] =	ssyncadd.s32 $0xFFFFE000;
	s17 =	smov.u32 s12;
	s18 =	sadd.s32 $0x1, s12  }
0x34: {  	[tilespmem:s10], [sflag:s7] =	stream.indirect.gather [hbm4b:s3+s16], $0x40, s9, s16, $0xb8;
	[tilespmem:$0x16400] =	vst v63  }
0x35: {  	p0 =	sne.s32 s12, $0xBF;
	s7 =	smov.u32 s13;
	_ =	swait.ge [sflag:s13], $0x2000  }
.Ltmp0:
0x36: {  	s9 =	sshll.u32 s11, $0xD;
	[sflag:s7] =	ssyncset.done $0x0;
	(pc) =	sbr.rel @p0 .LBB2_2-.Ltmp0, $4  }
0x37: {  	s10 =	sadd.s32 $0x6400, s9;
	s9 =	smov.u32 s6;
	[sflag:s7] =	ssyncadd.s32 $0xFFFFE000  }
0x38: {  	[hbm4b:s8+s0] =	stream.strided.scatter [tilespmem:s10], [sflag:$0x9], $0x2000, s16, s0, $0x38;
	[tilespmem:$0x16400] =	vst v63  }
0x39: {  	s11 =	sand.u32 $0x7, s17;
	s6 =	sadd.s32 $0x80, s6;
	_ =	swait.ge [sflag:s15], $0x2000  }
0x3a: {  	s12 =	smov.u32 s18;
	s8 =	sadd.s32 $0x800, s8;
	[sflag:s15] =	ssyncset.done $0x0  }
0x3b: {  	[sflag:s15] =	ssyncadd.s32 $0xFFFFE000;
	s12 =	sadd.s32 $0x1, s11  }
0x3c: {  	[tilespmem:s10], [sflag:s7] =	stream.indirect.gather [hbm4b:s3+s16], $0x40, s9, s16, $0xb8;
	[tilespmem:$0x16400] =	vst v63  }
0x3d: {  	_ =	swait.ge [sflag:s12], $0x2000  }
0x3e: {  	s13 =	sshll.u32 s11, $0xD;
	[sflag:s12] =	ssyncset.done $0x0  }
0x3f: {  	s9 =	sadd.s32 $0x6400, s13;
	[sflag:s12] =	ssyncadd.s32 $0xFFFFE000  }
0x40: {  	[hbm4b:s8+s0] =	stream.strided.scatter [tilespmem:s9], [sflag:$0x9], $0x2000, s16, s0, $0x38;
	[tilespmem:$0x16400] =	vst v63  }
0x41: {  	_ =	swait.ge [sflag:s15], $0x2000  }
0x42: {  	[sflag:s15] =	ssyncset.done $0x0  }
0x43: {  	[sflag:s15] =	ssyncadd.s32 $0xFFFFE000  }
0x44: {  	[tilespmem:s9], [sflag:s12] =	stream.indirect.gather [hbm4b:s3+s16], $0x40, s6, s16, $0xb8;
	[tilespmem:$0x16400] =	vst v63  }
0x45: {  	_ =	swait.ge [sflag:s1], $0x2000  }
0x46: {  	[sflag:s1] =	ssyncset.done $0x0  }
0x47: {  	s7 =	simm.s32 $0x6400;
	s17 =	rddreg [dreg:$0x4];
	[sflag:s1] =	ssyncadd.s32 $0xFFFFE000  }
0x48: {  	[hbm4b:s17+s0] =	stream.strided.scatter [tilespmem:s7], [sflag:$0x9], $0x2000, s16, s0, $0x38;
	[tilespmem:$0x16400] =	vst v63  }
0x49: {  	_ =	swait.ge [sflag:s15], $0x2000  }
0x4a: {  	[sflag:s15] =	ssyncset.done $0x0  }
0x4b: {  	[sflag:s15] =	ssyncadd.s32 $0xFFFFE000  }
0x4c: {  	_ =	swait.ge [sflag:s19], $0x2000  }
0x4d: {  	[sflag:s19] =	ssyncset.done $0x0  }
0x4e: {  	s8 =	simm.s32 $0x8400;
	s18 =	rddreg [dreg:$0x5];
	[sflag:s19] =	ssyncadd.s32 $0xFFFFE000  }
0x4f: {  	[hbm4b:s18+s0] =	stream.strided.scatter [tilespmem:s8], [sflag:$0x9], $0x2000, s16, s0, $0x38;
	[tilespmem:$0x16400] =	vst v63  }
0x50: {  	_ =	swait.ge [sflag:s15], $0x2000  }
0x51: {  	[sflag:s15] =	ssyncset.done $0x0  }
0x52: {  	[sflag:s15] =	ssyncadd.s32 $0xFFFFE000  }
0x53: {  	_ =	swait.ge [sflag:s21], $0x2000  }
0x54: {  	[sflag:s21] =	ssyncset.done $0x0  }
0x55: {  	s9 =	rddreg [dreg:$0x6];
	[sflag:s21] =	ssyncadd.s32 $0xFFFFE000  }
0x56: {  	[hbm4b:s9+s0] =	stream.strided.scatter [tilespmem:s20], [sflag:$0x9], $0x2000, s16, s0, $0x38;
	[tilespmem:$0x16400] =	vst v63  }
0x57: {  	_ =	swait.ge [sflag:s15], $0x2000  }
0x58: {  	[sflag:s15] =	ssyncset.done $0x0  }
0x59: {  	[sflag:s15] =	ssyncadd.s32 $0xFFFFE000  }
0x5a: {  	_ =	swait.ge [sflag:s23], $0x2000  }
0x5b: {  	[sflag:s23] =	ssyncset.done $0x0  }
0x5c: {  	s10 =	rddreg [dreg:$0x7];
	[sflag:s23] =	ssyncadd.s32 $0xFFFFE000  }
0x5d: {  	[hbm4b:s10+s0] =	stream.strided.scatter [tilespmem:s22], [sflag:$0x9], $0x2000, s16, s0, $0x38;
	[tilespmem:$0x16400] =	vst v63  }
0x5e: {  	_ =	swait.ge [sflag:s15], $0x2000  }
0x5f: {  	[sflag:s15] =	ssyncset.done $0x0  }
0x60: {  	[sflag:s15] =	ssyncadd.s32 $0xFFFFE000  }
0x61: {  	_ =	swait.ge [sflag:s25], $0x2000  }
0x62: {  	[sflag:s25] =	ssyncset.done $0x0  }
0x63: {  	s11 =	rddreg [dreg:$0x8];
	[sflag:s25] =	ssyncadd.s32 $0xFFFFE000  }
0x64: {  	[hbm4b:s11+s0] =	stream.strided.scatter [tilespmem:s24], [sflag:$0x9], $0x2000, s16, s0, $0x38;
	[tilespmem:$0x16400] =	vst v63  }
0x65: {  	_ =	swait.ge [sflag:s15], $0x2000  }
0x66: {  	[sflag:s15] =	ssyncset.done $0x0  }
0x67: {  	[sflag:s15] =	ssyncadd.s32 $0xFFFFE000  }
0x68: {  	_ =	swait.ge [sflag:s28], $0x2000  }
0x69: {  	[sflag:s28] =	ssyncset.done $0x0  }
0x6a: {  	s12 =	rddreg [dreg:$0x9];
	[sflag:s28] =	ssyncadd.s32 $0xFFFFE000  }
0x6b: {  	[hbm4b:s12+s0] =	stream.strided.scatter [tilespmem:s26], [sflag:$0x9], $0x2000, s16, s0, $0x38;
	[tilespmem:$0x16400] =	vst v63  }
0x6c: {  	_ =	swait.ge [sflag:s15], $0x2000  }
0x6d: {  	[sflag:s15] =	ssyncset.done $0x0  }
0x6e: {  	[sflag:s15] =	ssyncadd.s32 $0xFFFFE000  }
0x6f: {  	_ =	swait.ge [sflag:s30], $0x2000  }
0x70: {  	[sflag:s30] =	ssyncset.done $0x0  }
0x71: {  	s13 =	rddreg [dreg:$0xa];
	[sflag:s30] =	ssyncadd.s32 $0xFFFFE000  }
0x72: {  	[hbm4b:s13+s0] =	stream.strided.scatter [tilespmem:s29], [sflag:$0x9], $0x2000, s16, s0, $0x38;
	[tilespmem:$0x16400] =	vst v63  }
0x73: {  	_ =	swait.ge [sflag:s15], $0x2000  }
0x74: {  	[sflag:s15] =	ssyncset.done $0x0  }
0x75: {  	[sflag:s15] =	ssyncadd.s32 $0xFFFFE000  }
0x76: {  	_ =	swait.ge [sflag:s4], $0x2000  }
0x77: {  	[sflag:s4] =	ssyncset.done $0x0  }
0x78: {  	s17 =	rddreg [dreg:$0xb];
	[sflag:s4] =	ssyncadd.s32 $0xFFFFE000  }
0x79: {  	[hbm4b:s17+s0] =	stream.strided.scatter [tilespmem:s31], [sflag:$0x9], $0x2000, s16, s0, $0x38;
	[tilespmem:$0x16400] =	vst v63  }
0x7a: {  	_ =	swait.ge [sflag:s15], $0x2000  }
0x7b: {  	s5 =	sadd.s32 $0x1, s5;
	s18 =	rddreg [dreg:$0xc]  }
0x7c: {  	p0 =	sne.s32 s5, s18  }
.Ltmp1:
0x7d: {  	_ = 	snop;
	(pc) =	sbr.rel @p0 .LBB2_1-.Ltmp1, $3  }
0x7e: {  	_ =	sdelay $0x1  }
0x7f: {  	[sflag:s15] =	ssyncset.done $0x0  }
0x80: {  	[sflag:s15] =	ssyncadd.s32 $0xFFFFE000  }
0x81: {  	_ =	sfence.sel $0x180000  }
0x82: {  	[bflag:$0x0] =	sbarrier.arrive $0xFFFF  }
0x83: {  	_ =	strace $0x90000047  }
0x84: {  	s0 =	stileid.u32;
	[bflag:$0x2] =	sbarrier.arrive $0xFFFF  }
0x85: {  	p0 =	sne.s32 s0, $0x0;
	s0 =	rddreg [dreg:$0x2]  }
0x86: {  	s0 =	sadd.s32 @!p0 $0x100000, s0  }
0x87: {  	[sflag:s0] =	ssyncadd.tile.s32 @!p0 $0x1;
	_ =	shalt  }
.Lfunc_end2:
_tile_overlayer_lowered:
.L_overlay_start_2:
0x88: {  	(tag) =	ssettag $0x2  }
0x89: {  	s0 =	rddreg [dreg:$0x0];
	s2 =	stileid.u32  }
0x8a: {  	s1 =	rddreg [dreg:$0x1];
	p0 =	sne.s32 s2, $0x0  }
0x8b: {  	s3 =	rddreg [dreg:$0x2];
	[bflag:$0x3] =	sbarrier.arrive $0xFFFF;
	s2 =	simm.s32 @!p0 $0x1C09  }
0x8c: {  	[timem:s3], [sflag:s2] =	dma.local @!p0 [hbm:s0], s1  }
0x8d: {  	s0 =	simm.s32 @!p0 $0x9  }
0x8e: {  	_ =	swait.ge @!p0 [sflag:s0], s1  }
0x8f: {  	s1 =	ssub.s32 @!p0 $0x0, s1;
	[sflag:s0] =	ssyncset.done @!p0 $0x0  }
0x90: {  	[sflag:s0] =	ssyncadd.s32 @!p0 s1  }
0x91: {  	[bflag:$0x3] =	sbarrier.arrive $0xFFFF  }
0x92: {  	_ =	shalt  }

// kernel: sparse-core-data-format-call.cloned.1.call-start
scs
called_computation_lowered:
.L_overlay_start_0:
0x0: {  	s2 =	sld [smem:$0x3FD9]  }
0x1: {  	s3 =	sld [smem:$0x3FFE];
	_ =	sdelay $0x1  }
0x2: {  	s1 =	srdreg.scid  }
0x3: {  	s0 =	sand.u32 $0x1, s1  }
0x4: {  	s15 =	sshll.u32 s0, $0xA;
	s2 =	sadd.s32 s3, s2  }
0x5: {  	s2 =	sadd.s32 s2, s15  }
0x6: {  	[smem:$0x3FC5] =	sst s2  }
0x7: {  	_ = 	snop  }
0x8: {  	s2 =	sld [smem:$0x3FD0];
	_ =	sdelay $0x2  }
0x9: {  	s16 =	simm.s32 $0xA;
	s4 =	simm.s32 $0x10  }
0xa: {  	[smem:s4], [sflag:s16] =	dma.local [hbm:s2], $0x1  }
0xb: {  	_ =	swait.eq [sflag:s16], $0x1  }
0xc: {  	[sflag:s16] =	ssyncset.done $0x0  }
0xd: {  	[sflag:s16] =	ssyncadd.s32 $0xFFFFFFFF  }
0xe: {  	s17 =	sld [smem:$0x10];
	(tm) =	ssettm $0x1  }
0xf: {  	s18 =	sld [smem:$0x3FFB];
	_ =	sdelay $0x3  }
0x10: {  	_ =	strace s18  }
0x11: {  	s3 =	sld [smem:$0x3FFC];
	_ =	sdelay $0x3  }
0x12: {  	_ =	strace s3  }
0x13: {  	s3 =	sld [smem:$0x3FFD];
	_ =	sdelay $0x3  }
0x14: {  	_ =	strace s3  }
0x15: {  	_ =	strace $0x8FFFFFFF  }
0x16: {  	s19 =	sld [smem:$0x3FDB];
	_ =	sdelay $0x1  }
0x17: {  	s20 =	simm.s32 $_scs_section_size  }
0x18: {  	s5 =	simm.s32 $_size__tile_overlayer_lowered;
	s6 =	simm.s32 $_tile_overlayer_lowered  }
0x19: {  	s23 =	simm.s32 $0x1BFF;
	s22 =	sshll.u32 s6, $0x1;
	s3 =	sadd.s32 s20, s19  }
0x1a: {  	s7 =	simm.s32 $0x0;
	s21 =	sshll.u32 s5, $0x1;
	s5 =	sadd.s32 s22, s3  }
0x1b: {  	[timem:s7], [sflag:s23] =	dma.local [hbm:s5], s21  }
0x1c: {  	_ =	swait.ge [sflag:s23], s21  }
0x1d: {  	s4 =	ssub.s32 $0x0, s21;
	[sflag:s23] =	ssyncset.done $0x0  }
0x1e: {  	[sflag:s23] =	ssyncadd.s32 s4;
	_ =	sdelay $0x1  }
0x1f: {  	s24 =	simm.s32 $0x1B8B  }
0x20: {  	_ =	swait.ge [sflag:s24], $0x1  }
0x21: {  	[sflag:s24] =	ssyncset.done $0x0  }
0x22: {  	s26 =	simm.s32 $0x1B8E;
	s25 =	sld [smem:$0x3FFE];
	[sflag:s24] =	ssyncadd.s32 $0xFFFFFFFF  }
0x23: {  	s27 =	simm.s32 $execute0_lowered;
	[smem:$0x3FD2] =	sst s26  }
0x24: {  	s5 =	sshll.u32 s27, $0x1;
	_ =	strace $0x80000049;
	[dreg:$0x1] =	wrdreg $0xFFFFFFFF  }
0x25: {  	s28 =	simm.s32 $_size_execute0_lowered;
	s3 =	sadd.s32 s3, s5;
	[dreg:$0x0] =	wrdreg $0x0  }
0x26: {  	s5 =	sshll.u32 s28, $0x1;
	[dreg:$0x2] =	wrdreg s3  }
0x27: {  	[dreg:$0x3] =	wrdreg s5  }
0x28: {  	[dreg:$0x4] =	wrdreg $0xC0  }
0x29: {  	_ =	task [dreg:s7], $0x5FFFF  }
0x2a: {  	[dreg:$0x1] =	wrdreg $0xFFFFFFFF  }
0x2b: {  	[dreg:$0x0] =	wrdreg $0x60  }
0x2c: {  	[dreg:$0x2] =	wrdreg s25  }
0x2d: {  	[dreg:$0x3] =	wrdreg s17  }
0x2e: {  	[dreg:$0x4] =	wrdreg $0x9  }
0x2f: {  	_ =	task.clear_ibuf [dreg:s7], $0x5FFFF;
	_ =	strace $0x90000049  }
0x30: {  	s29 =	simm.s32 $0x9;
	_ =	strace $0x8000004B  }
0x31: {  	_ =	swait.ge [sflag:s29], $0x1  }
0x32: {  	[sflag:s29] =	ssyncadd.s32 $0xFFFFFFFF  }
0x33: {  	_ =	strace $0x9000004B  }
0x34: {  	_ =	sfence  }
0x35: {  	s30 =	sld [smem:$0x0];
	_ =	sdelay $0x2  }
0x36: {  	s31 =	sshll.u32 s1, $0xD;
	s1 =	sshrl.u32 s1, $0x2  }
0x37: {  	s3 =	sand.u32 $0x4000, s31;
	s1 =	sadd.s32 s1, s30  }
0x38: {  	s0 =	sor.u32 s3, s0;
	s1 =	sshll.u32 s1, $0x11  }
0x39: {  	s0 =	sor.u32 s1, s0  }
0x3a: {  	s0 =	sadd.s32 $0x8F2B, s0  }
0x3b: {  	[sflag:s0] =	ssyncadd.remote.s32 $0x1  }
0x3c: {  	_ =	sfence.sel $0xFFFF  }
0x3d: {  	[dreg:$0x0] =	wrdreg $0xFFFFFFFF;
	(pc) =	sbr.abs _section_cstart, $3  }
0x3e: {  	[dreg:$0x1] =	wrdreg $0xFFFFFFFF  }
0x3f: {  	_ =	task.clear_ibuf [dreg:s7], $0x2FFFF;
	_ =	strace $0x9FFFFFFF  }
0x40: {  	(tm) =	ssettm $0x7FFFFFFF  }
0x41: {  	_ =	shalt  }
tec
execute0_lowered:
.L_overlay_start_1:
0x0: {  	(tag) =	ssettag $0x1  }
0x1: {  	s0 =	srdreg.scid  }
0x2: {  	s1 =	sshll.u32 s0, $0x4  }
0x3: {  	s0 =	stileid.u32;
	s1 =	sand.u32 $0x10, s1  }
0x4: {  	s1 =	sor.u32 s0, s1  }
0x5: {  	s6 =	rddreg [dreg:$0x0];
	s4 =	simm.s32 $0x1;
	s2 =	sshll.u32 s1, $0x7  }
0x6: {  	s7 =	simm.s32 $0x2;
	s12 =	simm.s32 $0x0;
	s1 =	ssub.s32 $0x1000, s2  }
0x7: {  	s8 =	simm.s32 $0x8000;
	s13 =	simm.s32 $0x0;
	s3 =	sand.u32 $0xF80, s1  }
0x8: {  	s9 =	simm.s32 $0x0;
	s5 =	sshrl.u32 s1, $0xC;
	p0 =	sne.s32 s3, $0x0  }
.Ltmp0:
0x9: {  	s1 =	rddreg [dreg:$0x2];
	s4 =	simm.s32 @!p0 $0x0;
	(pc) =	sbr.rel .LBB1_1-.Ltmp0, $4  }
0xa: {  	s11 =	simm.s32 $0x0;
	s3 =	rddreg [dreg:$0x1];
	s5 =	sadd.s32 s4, s5  }
0xb: {  	_ =	strace $0x8000004A;
	s4 =	simm.s32 $0x1;
	s5 =	smul.u32 $0xC8, s5  }
0xc: {  	s6 =	sadd.s32 $0xC00, s6;
	s10 =	smov.u32 s2;
	[sflag:s4] =	ssyncpa.u1 $0x0  }
0xd: {  	p0 =	por $0x0, $0x0;
	[sflag:s7] =	ssyncpa.u1 $0x0;
	s7 =	sor.u32 $0x1, s5  }
.LBB1_4:
0xe: {  	s16 =	sshll.u32 s13, $0x3;
	s17 =	sand.u32 $0x78, s13  }
0xf: {  	s30 =	sand.u32 $0x7E00, s13;
	s12 =	sshll.u32 s12, $0xF;
	s16 =	sand.u32 $0xC00, s16  }
0x10: {  	[tilespmem:s15+$0x810 ss:$0x81] =	vst.msk $0xffff, v2;
	s31 =	sand.u32 $0x7, s13;
	s16 =	sor.u32 s17, s16;
	s17 =	sadd.s32 s3, s30  }
0x11: {  	[tilespmem:s15+$0x1020 ss:$0x81] =	vst.msk $0xffff, v0;
	s13 =	sshll.u32 s31, $0x12;
	s12 =	sadd.s32 s12, s17;
	s16 =	sshrl.u32 s16, $0x3  }
0x12: {  	[tilespmem:s15+$0x0 ss:$0x81] =	vst.msk $0xffff, v1;
	s13 =	sor.u32 $0x400, s13;
	s12 =	sadd.s32 s16, s12  }
0x13: {  	[hbm4b:s12+s13] =	stream.strided.scatter [tilespmem:s14], [sflag:$0x2], $0x2000, s8, s13, $0x20;
	[tilespmem:$0x8080] =	vst v63  }
.LBB1_5:
0x14: {  	s14 =	sadd.s32 $0x1, s9  }
0x15: {  	s12 =	sadd.s32 $0x1000, s10;
	s16 =	smov.u32 s10;
	p2 =	sgt.s32 s14, $0xC7  }
0x16: {  	s16 =	smov.u32 @p2 s12  }
0x17: {  	s14 =	simm.s32 @p2 $0x0;
	p2 =	sgt.s32 s16, $0xFFF  }
0x18: {  	s16 =	smov.u32 @p2 s2;
	p2 =	sne.s32 s11, s7  }
.Ltmp1:
0x19: {  	p1 =	slt.u32 s11, $0x2;
	(pc) =	sbr.rel @!p2 .LBB1_6-.Ltmp1, $4  }
0x1a: {  	s15 =	simm.s32 @!p1 $0x2  }
0x1b: {  	s13 =	smov.u32 s10;
	p0 =	por !p0, !p0;
	_ =	swait.ge @!p1 [sflag:s15], $0x2000  }
0x1c: {  	s12 =	smov.u32 s9;
	[sflag:s15] =	ssyncset.done @!p1 $0x0;
	s9 =	smov.u32 s14  }
0x1d: {  	s11 =	sadd.s32 $0x1, s11;
	[sflag:s15] =	ssyncadd.s32 @!p1 $0xFFFFE000;
	s10 =	smov.u32 s16  }
.LBB1_1:
0x1e: {  	p1 =	sge.u32 s11, s5  }
0x1f: {  	s14 =	sand.u32 @!p1 $0x1FFFFFF, s9  }
0x20: {  	s15 =	smulhi.u32 @!p1 $0x147AE15, s14;
	_ =	sdelay $0x1  }
0x21: {  	s15 =	smul.u32 @!p1 $0xC8, s15  }
0x22: {  	s16 =	sxor.u32 @!p1 $0xFFFFFFFF, s11;
	s17 =	smul.u32 @!p1 $0xC80, s10  }
0x23: {  	s31 =	sadd.s32 $0xFFFFFFFF, s11;
	s16 =	sshll.u32 @!p1 s16, $0xD;
	s14 =	ssub.s32 @!p1 s14, s15  }
0x24: {  	s15 =	sand.u32 @!p1 $0x2000, s16;
	s16 =	sadd.s32 @!p1 s6, s17;
	s14 =	sshll.u32 @!p1 s14, $0x4  }
0x25: {  	s17 =	simm.s32 @!p1 $0x6400;
	s14 =	sadd.s32 @!p1 s14, s16;
	s16 =	simm.s32 @!p1 $0x40  }
0x26: {  	[tilespmem:s15], [sflag:$0x1] =	stream.strided.gather @!p1 [hbm4b:s14+s16], $0x2000, s17, s16, $0x38;
	[tilespmem:$0x8080] =	vst v63  }
0x27: {  	p1 =	sge.u32 s31, s5  }
.Ltmp2:
0x28: {  	_ = 	snop;
	(pc) =	sbr.rel @p1 .LBB1_5-.Ltmp2, $1  }
0x29: {  	_ =	sdelay $0x3  }
0x2a: {  	s14 =	simm.s32 $0x1  }
0x2b: {  	_ =	swait.ge [sflag:s4], $0x2000;
	s14 =	simm.s32 @!p0 $0x0  }
0x2c: {  	[sflag:s4] =	ssyncset.done $0x0;
	s15 =	sshll.u32 s14, $0xD  }
0x2d: {  	[sflag:s4] =	ssyncadd.s32 $0xFFFFE000;
	s18 =	sor.u32 $0x20, s15  }
0x2e: {  	s14 =	smul.u32 $0x8100, s14;
	v3 =	vld [tilespmem:s18+$0x10]  }
0x2f: {  	s30 =	sand.u32 $0x1, s11;
	v2 =	vld [tilespmem:s18+$0xFFFFFFF0]  }
0x30: {  	s15 =	smul.u32 $0x8100, s30;
	s14 =	sshrl.u32 s14, $0x2;
	v0 =	vld [tilespmem:s18+$0x0]  }
0x31: {  	v1 =	vld [tilespmem:s18+$0xFFFFFFE0];
	s16 =	sor.u32 $0x4000, s14  }
0x32: {  	s31 =	sshrl.u32 s15, $0x2;
	s15 =	sadd.s32 $0x0, s16  }
0x33: {  	s17 =	simm.s32 $0x4;
	s18 =	sadd.s32 $0x40, s18;
	s14 =	sor.u32 $0x4000, s31;
	[tilespmem:s15+$0x1830 ss:$0x81] =	vst.msk $0xffff, v3  }
.LBB1_3:
0x34: {  	v3 =	vld [tilespmem:s18+$0x10];
	p1 =	sne.s32 s17, $0x1FC;
	[tilespmem:s15+$0x810 ss:$0x81] =	vst.msk $0xffff, v2;
	s19 =	smov.u32 s17;
	s17 =	sadd.s32 $0x4, s17  }
.Ltmp3:
0x35: {  	v2 =	vld [tilespmem:s18+$0xFFFFFFF0];
	[tilespmem:s15+$0x1020 ss:$0x81] =	vst.msk $0xffff, v0;
	(pc) =	sbr.rel @p1 .LBB1_3-.Ltmp3, $4  }
0x36: {  	v0 =	vld [tilespmem:s18+$0x0];
	[tilespmem:s15+$0x0 ss:$0x81] =	vst.msk $0xffff, v1  }
0x37: {  	s15 =	sshra.s32 s19, $0x2;
	v1 =	vld [tilespmem:s18+$0xFFFFFFE0]  }
0x38: {  	s15 =	sadd.s32 s15, s16  }
0x39: {  	s18 =	sadd.s32 $0x40, s18;
	[tilespmem:s15+$0x1830 ss:$0x81] =	vst.msk $0xffff, v3  }
.Ltmp4:
0x3a: {  	_ = 	snop;
	(pc) =	sbr.rel .LBB1_4-.Ltmp4, $1  }
0x3b: {  	_ =	sdelay $0x3  }
.LBB1_6:
0x3c: {  	_ =	sfence.sel $0x180000  }
0x3d: {  	s2 =	simm.s32 $0x1;
	[bflag:$0x0] =	sbarrier.arrive $0xFFFF  }
0x3e: {  	s31 =	simm.s32 $0x2;
	[sflag:s2] =	ssyncpa.u1 $0x1  }
0x3f: {  	[sflag:s31] =	ssyncpa.u1 $0x1  }
0x40: {  	p0 =	sne.s32 s0, $0x0;
	_ =	strace $0x9000004A  }
0x41: {  	s0 =	sadd.s32 @!p0 $0x100000, s1;
	[bflag:$0x2] =	sbarrier.arrive $0xFFFF  }
0x42: {  	[sflag:s0] =	ssyncadd.tile.s32 @!p0 $0x1;
	_ =	shalt  }
.Lfunc_end1:
_tile_overlayer_lowered:
.L_overlay_start_2:
0x43: {  	(tag) =	ssettag $0x2  }
0x44: {  	s0 =	rddreg [dreg:$0x0];
	s2 =	stileid.u32  }
0x45: {  	s1 =	rddreg [dreg:$0x1];
	p0 =	sne.s32 s2, $0x0  }
0x46: {  	s3 =	rddreg [dreg:$0x2];
	[bflag:$0x3] =	sbarrier.arrive $0xFFFF;
	s2 =	simm.s32 @!p0 $0x1C01  }
0x47: {  	[timem:s3], [sflag:s2] =	dma.local @!p0 [hbm:s0], s1  }
0x48: {  	s0 =	simm.s32 @!p0 $0x1  }
0x49: {  	_ =	swait.ge @!p0 [sflag:s0], s1  }
0x4a: {  	s1 =	ssub.s32 @!p0 $0x0, s1;
	[sflag:s0] =	ssyncset.done @!p0 $0x0  }
0x4b: {  	[sflag:s0] =	ssyncadd.s32 @!p0 s1  }
0x4c: {  	[bflag:$0x3] =	sbarrier.arrive $0xFFFF  }
0x4d: {  	_ =	shalt  }

</sc_bundles>
